<compile_context>
chip_gen: v7x
topology: tpu7x:2x2x1
jax: 0.10.2.dev20260603
libtpu: 0.0.44.dev20260713+nightly
codegen_flags: <defaults>
</compile_context>

<pallas_src>
import functools

import jax
import jax.numpy as jnp
from jax import lax
from jax.experimental import pallas as pl
from jax.experimental.pallas import tpu as pltpu
from jax.experimental.pallas import tpu_sc as plsc

_TOP_K = 8
_E = 64
_H = 2048
_N = 8192
_BLK = 1024

_NC = 2
_NS = 16
_NW = _NC * _NS
_L = 16
_T = _N // _NW
_G = _T // _L


def _mm_body(hs_ref, w_ref, b_ref, out_ref):
    out_ref[...] = (
        lax.dot_general(w_ref[...], hs_ref[...], (((1,), (1,)), ((), ())),
                        preferred_element_type=jnp.float32)
        + b_ref[...]
    )


def _logits_t(hs, weight, bias):
    return pl.pallas_call(
        _mm_body,
        grid=(_N // _BLK,),
        in_specs=[
            pl.BlockSpec((_BLK, _H), lambda i: (i, 0)),
            pl.BlockSpec((_E, _H), lambda i: (0, 0)),
            pl.BlockSpec((_E, 1), lambda i: (0, 0)),
        ],
        out_specs=pl.BlockSpec((_E, _BLK), lambda i: (0, i)),
        out_shape=jax.ShapeDtypeStruct((_E, _N), jnp.float32),
    )(hs, weight, bias.reshape(_E, 1))


def _route_body(lt_hbm, scores_hbm, idx_hbm, cnt_hbm, lt_v, sc_v, idx_v, cnt_v):
    wid = lax.axis_index("s") * _NC + lax.axis_index("c")
    base = wid * _T
    pltpu.sync_copy(lt_hbm.at[:, pl.ds(base, _T)], lt_v)

    iota = jnp.arange(_L, dtype=jnp.int32)
    zeros = jnp.zeros((_L,), jnp.float32)
    ones = jnp.ones((_L,), jnp.int32)
    neg_inf = jnp.full((_L,), -jnp.inf, jnp.float32)

    for c in range(_E // _L):
        cnt_v[pl.ds(c * _L, _L)] = jnp.zeros((_L,), jnp.int32)

    def group(g, carry):
        row0 = g * _L

        def insert2(e2, st):
            st = list(st)
            for u in range(2):
                e = e2 * 2 + u
                ts, ids = st[:_TOP_K], st[_TOP_K:]
                cv = lt_v[e, pl.ds(row0, _L)]
                ci = jnp.broadcast_to(e, (_L,))
                nts, nids = [], []
                for j in range(_TOP_K):
                    gt = cv > ts[j]
                    nts.append(jnp.where(gt, cv, ts[j]))
                    nids.append(jnp.where(gt, ci, ids[j]))
                    cv = jnp.where(gt, ts[j], cv)
                    ci = jnp.where(gt, ids[j], ci)
                st = nts + nids
            return tuple(st)

        st = lax.fori_loop(
            0, _E // 2, insert2,
            tuple([neg_inf] * _TOP_K) + tuple([jnp.zeros((_L,), jnp.int32)] * _TOP_K),
        )
        ts, ids = st[:_TOP_K], st[_TOP_K:]

        nums = [jnp.exp(ts[j] - ts[0]) for j in range(_TOP_K)]
        den = nums[0]
        for j in range(1, _TOP_K):
            den = den + nums[j]
        rden = jnp.float32(1.0) / den

        for rc in range(_L * _E // _L):
            sc_v[pl.ds(row0 * _E + rc * _L, _L)] = zeros

        rows = row0 + iota
        for j in range(_TOP_K):
            plsc.store_scatter(sc_v, [rows * _E + ids[j]], nums[j] * rden)
            plsc.store_scatter(idx_v, [rows * _TOP_K + j], ids[j])
            plsc.addupdate_scatter(cnt_v, [ids[j]], ones)
        return carry

    lax.fori_loop(0, _G, group, 0)

    pltpu.sync_copy(sc_v, scores_hbm.at[pl.ds(base * _E, _T * _E)])
    pltpu.sync_copy(idx_v, idx_hbm.at[pl.ds(base * _TOP_K, _T * _TOP_K)])
    pltpu.sync_copy(cnt_v, cnt_hbm.at[wid])


@functools.partial(
    pl.kernel,
    mesh=plsc.VectorSubcoreMesh(core_axis_name="c", subcore_axis_name="s"),
    out_type=[
        jax.ShapeDtypeStruct((_N * _E,), jnp.float32),
        jax.ShapeDtypeStruct((_N * _TOP_K,), jnp.int32),
        jax.ShapeDtypeStruct((_NW, _E), jnp.int32),
    ],
    scratch_types=[
        pltpu.VMEM((_E, _T), jnp.float32),
        pltpu.VMEM((_T * _E,), jnp.float32),
        pltpu.VMEM((_T * _TOP_K,), jnp.int32),
        pltpu.VMEM((_E,), jnp.int32),
    ],
    compiler_params=pltpu.CompilerParams(needs_layout_passes=False),
)
def _route(lt_hbm, scores_hbm, idx_hbm, cnt_hbm, lt_v, sc_v, idx_v, cnt_v):
    _route_body(lt_hbm, scores_hbm, idx_hbm, cnt_hbm, lt_v, sc_v, idx_v, cnt_v)


def _cnt_body(parts_ref, out_ref):
    out_ref[...] = jnp.sum(parts_ref[...], axis=0, keepdims=True)


def _cnt_reduce(parts):
    return pl.pallas_call(
        _cnt_body,
        out_shape=jax.ShapeDtypeStruct((1, _E), jnp.int32),
    )(parts)


@jax.jit
def kernel(hidden_states, weight, bias):
    hs = hidden_states.reshape(-1, _H)
    lt = _logits_t(hs, weight, bias)
    scores, idx, cnt_parts = _route(lt)
    cnt = _cnt_reduce(cnt_parts)
    return scores.reshape(_N, _E), idx.reshape(_N, _TOP_K), cnt.reshape(_E)

# --- scband reference (transcript-rebuilt; emitter-appended) ---
"""Pipeline reference for scband-rblngpt-oss-top-krouter-77111842832396 (READ-ONLY COPY).

The authoritative reference and input builder live on the scoring server;
editing this copy changes nothing except your own understanding.
"""

import jax, jax.numpy as jnp
import numpy as np

TOP_K = 8
NUM_EXPERTS = 64
HIDDEN_DIM = 2048
N_TOKENS = 8192

def setup_inputs(seed: int = 0) -> dict:
    key = jax.random.key(seed)
    k1, k2, k3 = jax.random.split(key, 3)
    hidden_states = jax.random.normal(k1, (N_TOKENS, HIDDEN_DIM), dtype=jnp.float32)
    weight = jax.random.normal(k2, (NUM_EXPERTS, HIDDEN_DIM), dtype=jnp.float32) * 0.02
    bias = jax.random.normal(k3, (NUM_EXPERTS,), dtype=jnp.float32) * 0.02
    return {"hidden_states": hidden_states, "weight": weight, "bias": bias}

def reference(hidden_states, weight, bias):
    hs = hidden_states.reshape(-1, HIDDEN_DIM)
    router_logits = hs @ weight.T + bias
    router_top_value, router_indices = jax.lax.top_k(router_logits, TOP_K)
    router_top_value = jax.nn.softmax(router_top_value, axis=1)
    n = hs.shape[0]
    rows = jnp.arange(n)[:, None]
    router_scores = jnp.zeros_like(router_logits).at[rows, router_indices].set(router_top_value)
    ones = jnp.ones((n * TOP_K,), dtype=jnp.int32)
    expert_select_count = jnp.zeros((NUM_EXPERTS,), dtype=jnp.int32).at[router_indices.reshape(-1)].add(ones)
    return (router_scores, router_indices, expert_select_count)

if __name__ == "__main__":
    import jax
    _d = setup_inputs()
    print(jax.jit(kernel)(*tuple(_d.values())))

</pallas_src>

<mosaic_0001>
#map = affine_map<(d0, d1) -> (0, 0)>
#map1 = affine_map<(d0, d1) -> (0)>
module attributes {stable_mosaic.version = 14 : i64} {
  func.func @_route(%arg0: i32, %arg1: i32, %arg2: memref<64x8192xf32, #tpu.memory_space<hbm>>, %arg3: memref<524288xf32, #tpu.memory_space<hbm>>, %arg4: memref<65536xi32, #tpu.memory_space<hbm>>, %arg5: memref<32x64xi32, #tpu.memory_space<hbm>>, %arg6: memref<64x256xf32, #tpu.memory_space<vmem>>, %arg7: memref<16384xf32, #tpu.memory_space<vmem>>, %arg8: memref<2048xi32, #tpu.memory_space<vmem>>, %arg9: memref<64xi32, #tpu.memory_space<vmem>>) attributes {dimension_semantics = [#tpu.dimension_semantics<core_parallel>, #tpu.dimension_semantics<subcore_parallel>], iteration_bounds = array<i64: 2, 16>, scalar_prefetch = 0 : i64, scratch_operands = 4 : i64, tpu.core_type = #tpu.core_type<sc_vector_subcore>, window_params = [{transform_indices = #map}, {transform_indices = #map1}, {transform_indices = #map1}, {transform_indices = #map}]} {
    %mul3A = arith.constant 2 : i32
    %mul3A_0 = arith.muli %arg1, %mul3A : i32
    %add3A = arith.addi %mul3A_0, %arg0 : i32
    %mul3A_1 = arith.constant 256 : i32
    %mul3A_2 = arith.muli %add3A, %mul3A_1 : i32
    "tpu.region"() ({
      %run_scoped3A = tpu.sem_alloc : memref<!tpu.dma_semaphore, #tpu.memory_space<semaphore_mem>>
      %dma_start3A = arith.constant 0 : i32
      %dma_start3A_32 = tpu.memref_slice %arg2[%dma_start3A, %mul3A_2] : memref<64x8192xf32, #tpu.memory_space<hbm>> -> memref<64x256xf32, #tpu.memory_space<hbm>>
      %dma_start3A_33 = arith.constant 0 : i32
      %dma_start3A_34 = tpu.memref_slice %arg2[%dma_start3A_33, %mul3A_2] : memref<64x8192xf32, #tpu.memory_space<hbm>> -> memref<64x256xf32, #tpu.memory_space<hbm>>
      tpu.enqueue_dma source(%dma_start3A_34 : memref<64x256xf32, #tpu.memory_space<hbm>>) target(%arg6 : memref<64x256xf32, #tpu.memory_space<vmem>>) target_semaphore(%run_scoped3A : memref<!tpu.dma_semaphore, #tpu.memory_space<semaphore_mem>>)
      %dma_wait3A = arith.constant 0 : i32
      %dma_wait3A_35 = tpu.memref_slice %arg2[%dma_wait3A, %mul3A_2] : memref<64x8192xf32, #tpu.memory_space<hbm>> -> memref<64x256xf32, #tpu.memory_space<hbm>>
      %dma_wait3A_36 = arith.constant 0 : i32
      %dma_wait3A_37 = tpu.memref_slice %arg2[%dma_wait3A_36, %mul3A_2] : memref<64x8192xf32, #tpu.memory_space<hbm>> -> memref<64x256xf32, #tpu.memory_space<hbm>>
      tpu.wait_dma2 semaphore(%run_scoped3A : memref<!tpu.dma_semaphore, #tpu.memory_space<semaphore_mem>>) src(%dma_wait3A_37 : memref<64x256xf32, #tpu.memory_space<hbm>>) dst(%arg6 : memref<64x256xf32, #tpu.memory_space<vmem>>)
      tpu.yield
    }) : () -> ()
    %iota3A = tpu.iota {dimensions = array<i32: 0>} : vector<16xi32>
    %broadcast_in_dim3A = arith.constant 0.000000e+00 : f32
    %broadcast_in_dim3A_3 = vector.broadcast %broadcast_in_dim3A : f32 to vector<16xf32>
    %broadcast_in_dim3A_4 = arith.constant 1 : i32
    %broadcast_in_dim3A_5 = vector.broadcast %broadcast_in_dim3A_4 : i32 to vector<16xi32>
    %broadcast_in_dim3A_6 = arith.constant 0xFF800000 : f32
    %broadcast_in_dim3A_7 = vector.broadcast %broadcast_in_dim3A_6 : f32 to vector<16xf32>
    %broadcast_in_dim3A_8 = arith.constant 0 : i32
    %broadcast_in_dim3A_9 = vector.broadcast %broadcast_in_dim3A_8 : i32 to vector<16xi32>
    %swap3A = arith.constant 0 : index
    %swap3A_10 = tpu.vector_load %arg9[%swap3A] {strides = array<i32>} : memref<64xi32, #tpu.memory_space<vmem>>, vector<16xi32>,
    tpu.vector_store %arg9[%swap3A], %broadcast_in_dim3A_9 {strides = array<i32>} : memref<64xi32, #tpu.memory_space<vmem>>, vector<16xi32>,
    %broadcast_in_dim3A_11 = arith.constant 0 : i32
    %broadcast_in_dim3A_12 = vector.broadcast %broadcast_in_dim3A_11 : i32 to vector<16xi32>
    %swap3A_13 = arith.constant 16 : index
    %swap3A_14 = tpu.vector_load %arg9[%swap3A_13] {strides = array<i32>} : memref<64xi32, #tpu.memory_space<vmem>>, vector<16xi32>,
    tpu.vector_store %arg9[%swap3A_13], %broadcast_in_dim3A_12 {strides = array<i32>} : memref<64xi32, #tpu.memory_space<vmem>>, vector<16xi32>,
    %broadcast_in_dim3A_15 = arith.constant 0 : i32
    %broadcast_in_dim3A_16 = vector.broadcast %broadcast_in_dim3A_15 : i32 to vector<16xi32>
    %swap3A_17 = arith.constant 32 : index
    %swap3A_18 = tpu.vector_load %arg9[%swap3A_17] {strides = array<i32>} : memref<64xi32, #tpu.memory_space<vmem>>, vector<16xi32>,
    tpu.vector_store %arg9[%swap3A_17], %broadcast_in_dim3A_16 {strides = array<i32>} : memref<64xi32, #tpu.memory_space<vmem>>, vector<16xi32>,
    %broadcast_in_dim3A_19 = arith.constant 0 : i32
    %broadcast_in_dim3A_20 = vector.broadcast %broadcast_in_dim3A_19 : i32 to vector<16xi32>
    %swap3A_21 = arith.constant 48 : index
    %swap3A_22 = tpu.vector_load %arg9[%swap3A_21] {strides = array<i32>} : memref<64xi32, #tpu.memory_space<vmem>>, vector<16xi32>,
    tpu.vector_store %arg9[%swap3A_21], %broadcast_in_dim3A_20 {strides = array<i32>} : memref<64xi32, #tpu.memory_space<vmem>>, vector<16xi32>,
    %scan3A = arith.constant 0 : i32
    %scan3A_23 = arith.constant 0 : i32
    %scan3A_24 = arith.constant 16 : i32
    %scan3A_25 = arith.addi %scan3A_23, %scan3A_24 : i32
    %scan3A_26 = arith.constant 1 : i32
    scf.for %scan3A_32 = %scan3A_23 to %scan3A_25 step %scan3A_26  : i32 {
      %mul3A_33 = arith.constant 16 : i32
      %mul3A_34 = arith.muli %scan3A_32, %mul3A_33 : i32
      %broadcast_in_dim3A_35 = arith.constant 0 : i32
      %broadcast_in_dim3A_36 = vector.broadcast %broadcast_in_dim3A_35 : i32 to vector<16xi32>
      %scan3A_37 = arith.constant 0 : i32
      %scan3A_38 = arith.constant 32 : i32
      %scan3A_39 = arith.addi %scan3A_37, %scan3A_38 : i32
      %scan3A_40 = arith.constant 1 : i32
      %scan3A_41:16 = scf.for %scan3A_540 = %scan3A_37 to %scan3A_39 step %scan3A_40 iter_args(%scan3A_541 = %broadcast_in_dim3A_7, %scan3A_542 = %broadcast_in_dim3A_7, %scan3A_543 = %broadcast_in_dim3A_7, %scan3A_544 = %broadcast_in_dim3A_7, %scan3A_545 = %broadcast_in_dim3A_7, %scan3A_546 = %broadcast_in_dim3A_7, %scan3A_547 = %broadcast_in_dim3A_7, %scan3A_548 = %broadcast_in_dim3A_7, %scan3A_549 = %broadcast_in_dim3A_36, %scan3A_550 = %broadcast_in_dim3A_36, %scan3A_551 = %broadcast_in_dim3A_36, %scan3A_552 = %broadcast_in_dim3A_36, %scan3A_553 = %broadcast_in_dim3A_36, %scan3A_554 = %broadcast_in_dim3A_36, %scan3A_555 = %broadcast_in_dim3A_36, %scan3A_556 = %broadcast_in_dim3A_36) -> (vector<16xf32>, vector<16xf32>, vector<16xf32>, vector<16xf32>, vector<16xf32>, vector<16xf32>, vector<16xf32>, vector<16xf32>, vector<16xi32>, vector<16xi32>, vector<16xi32>, vector<16xi32>, vector<16xi32>, vector<16xi32>, vector<16xi32>, vector<16xi32>)  : i32 {
        %mul3A_557 = arith.constant 2 : i32
        %mul3A_558 = arith.muli %scan3A_540, %mul3A_557 : i32
        %add3A_559 = arith.constant 0 : i32
        %add3A_560 = arith.addi %mul3A_558, %add3A_559 : i32
        %get3A = arith.index_cast %add3A_560 : i32 to index
        %get3A_561 = arith.index_cast %mul3A_34 : i32 to index
        %get3A_562 = tpu.vector_load %arg6[%get3A, %get3A_561] {strides = array<i32>} : memref<64x256xf32, #tpu.memory_space<vmem>>, vector<16xf32>,
        %broadcast_in_dim3A_563 = vector.broadcast %add3A_560 : i32 to vector<16xi32>
        %gt3A = arith.cmpf ogt, %get3A_562, %scan3A_541 : vector<16xf32>
        %select_n3A = arith.select %gt3A, %get3A_562, %scan3A_541 : vector<16xi1>, vector<16xf32>
        %select_n3A_564 = arith.select %gt3A, %broadcast_in_dim3A_563, %scan3A_549 : vector<16xi1>, vector<16xi32>
        %select_n3A_565 = arith.select %gt3A, %scan3A_541, %get3A_562 : vector<16xi1>, vector<16xf32>
        %select_n3A_566 = arith.select %gt3A, %scan3A_549, %broadcast_in_dim3A_563 : vector<16xi1>, vector<16xi32>
        %gt3A_567 = arith.cmpf ogt, %select_n3A_565, %scan3A_542 : vector<16xf32>
        %select_n3A_568 = arith.select %gt3A_567, %select_n3A_565, %scan3A_542 : vector<16xi1>, vector<16xf32>
        %select_n3A_569 = arith.select %gt3A_567, %select_n3A_566, %scan3A_550 : vector<16xi1>, vector<16xi32>
        %select_n3A_570 = arith.select %gt3A_567, %scan3A_542, %select_n3A_565 : vector<16xi1>, vector<16xf32>
        %select_n3A_571 = arith.select %gt3A_567, %scan3A_550, %select_n3A_566 : vector<16xi1>, vector<16xi32>
        %gt3A_572 = arith.cmpf ogt, %select_n3A_570, %scan3A_543 : vector<16xf32>
        %select_n3A_573 = arith.select %gt3A_572, %select_n3A_570, %scan3A_543 : vector<16xi1>, vector<16xf32>
        %select_n3A_574 = arith.select %gt3A_572, %select_n3A_571, %scan3A_551 : vector<16xi1>, vector<16xi32>
        %select_n3A_575 = arith.select %gt3A_572, %scan3A_543, %select_n3A_570 : vector<16xi1>, vector<16xf32>
        %select_n3A_576 = arith.select %gt3A_572, %scan3A_551, %select_n3A_571 : vector<16xi1>, vector<16xi32>
        %gt3A_577 = arith.cmpf ogt, %select_n3A_575, %scan3A_544 : vector<16xf32>
        %select_n3A_578 = arith.select %gt3A_577, %select_n3A_575, %scan3A_544 : vector<16xi1>, vector<16xf32>
        %select_n3A_579 = arith.select %gt3A_577, %select_n3A_576, %scan3A_552 : vector<16xi1>, vector<16xi32>
        %select_n3A_580 = arith.select %gt3A_577, %scan3A_544, %select_n3A_575 : vector<16xi1>, vector<16xf32>
        %select_n3A_581 = arith.select %gt3A_577, %scan3A_552, %select_n3A_576 : vector<16xi1>, vector<16xi32>
        %gt3A_582 = arith.cmpf ogt, %select_n3A_580, %scan3A_545 : vector<16xf32>
        %select_n3A_583 = arith.select %gt3A_582, %select_n3A_580, %scan3A_545 : vector<16xi1>, vector<16xf32>
        %select_n3A_584 = arith.select %gt3A_582, %select_n3A_581, %scan3A_553 : vector<16xi1>, vector<16xi32>
        %select_n3A_585 = arith.select %gt3A_582, %scan3A_545, %select_n3A_580 : vector<16xi1>, vector<16xf32>
        %select_n3A_586 = arith.select %gt3A_582, %scan3A_553, %select_n3A_581 : vector<16xi1>, vector<16xi32>
        %gt3A_587 = arith.cmpf ogt, %select_n3A_585, %scan3A_546 : vector<16xf32>
        %select_n3A_588 = arith.select %gt3A_587, %select_n3A_585, %scan3A_546 : vector<16xi1>, vector<16xf32>
        %select_n3A_589 = arith.select %gt3A_587, %select_n3A_586, %scan3A_554 : vector<16xi1>, vector<16xi32>
        %select_n3A_590 = arith.select %gt3A_587, %scan3A_546, %select_n3A_585 : vector<16xi1>, vector<16xf32>
        %select_n3A_591 = arith.select %gt3A_587, %scan3A_554, %select_n3A_586 : vector<16xi1>, vector<16xi32>
        %gt3A_592 = arith.cmpf ogt, %select_n3A_590, %scan3A_547 : vector<16xf32>
        %select_n3A_593 = arith.select %gt3A_592, %select_n3A_590, %scan3A_547 : vector<16xi1>, vector<16xf32>
        %select_n3A_594 = arith.select %gt3A_592, %select_n3A_591, %scan3A_555 : vector<16xi1>, vector<16xi32>
        %select_n3A_595 = arith.select %gt3A_592, %scan3A_547, %select_n3A_590 : vector<16xi1>, vector<16xf32>
        %select_n3A_596 = arith.select %gt3A_592, %scan3A_555, %select_n3A_591 : vector<16xi1>, vector<16xi32>
        %gt3A_597 = arith.cmpf ogt, %select_n3A_595, %scan3A_548 : vector<16xf32>
        %select_n3A_598 = arith.select %gt3A_597, %select_n3A_595, %scan3A_548 : vector<16xi1>, vector<16xf32>
        %select_n3A_599 = arith.select %gt3A_597, %select_n3A_596, %scan3A_556 : vector<16xi1>, vector<16xi32>
        %select_n3A_600 = arith.select %gt3A_597, %scan3A_548, %select_n3A_595 : vector<16xi1>, vector<16xf32>
        %select_n3A_601 = arith.select %gt3A_597, %scan3A_556, %select_n3A_596 : vector<16xi1>, vector<16xi32>
        %mul3A_602 = arith.constant 2 : i32
        %mul3A_603 = arith.muli %scan3A_540, %mul3A_602 : i32
        %add3A_604 = arith.constant 1 : i32
        %add3A_605 = arith.addi %mul3A_603, %add3A_604 : i32
        %get3A_606 = arith.index_cast %add3A_605 : i32 to index
        %get3A_607 = arith.index_cast %mul3A_34 : i32 to index
        %get3A_608 = tpu.vector_load %arg6[%get3A_606, %get3A_607] {strides = array<i32>} : memref<64x256xf32, #tpu.memory_space<vmem>>, vector<16xf32>,
        %broadcast_in_dim3A_609 = vector.broadcast %add3A_605 : i32 to vector<16xi32>
        %gt3A_610 = arith.cmpf ogt, %get3A_608, %select_n3A : vector<16xf32>
        %select_n3A_611 = arith.select %gt3A_610, %get3A_608, %select_n3A : vector<16xi1>, vector<16xf32>
        %select_n3A_612 = arith.select %gt3A_610, %broadcast_in_dim3A_609, %select_n3A_564 : vector<16xi1>, vector<16xi32>
        %select_n3A_613 = arith.select %gt3A_610, %select_n3A, %get3A_608 : vector<16xi1>, vector<16xf32>
        %select_n3A_614 = arith.select %gt3A_610, %select_n3A_564, %broadcast_in_dim3A_609 : vector<16xi1>, vector<16xi32>
        %gt3A_615 = arith.cmpf ogt, %select_n3A_613, %select_n3A_568 : vector<16xf32>
        %select_n3A_616 = arith.select %gt3A_615, %select_n3A_613, %select_n3A_568 : vector<16xi1>, vector<16xf32>
        %select_n3A_617 = arith.select %gt3A_615, %select_n3A_614, %select_n3A_569 : vector<16xi1>, vector<16xi32>
        %select_n3A_618 = arith.select %gt3A_615, %select_n3A_568, %select_n3A_613 : vector<16xi1>, vector<16xf32>
        %select_n3A_619 = arith.select %gt3A_615, %select_n3A_569, %select_n3A_614 : vector<16xi1>, vector<16xi32>
        %gt3A_620 = arith.cmpf ogt, %select_n3A_618, %select_n3A_573 : vector<16xf32>
        %select_n3A_621 = arith.select %gt3A_620, %select_n3A_618, %select_n3A_573 : vector<16xi1>, vector<16xf32>
        %select_n3A_622 = arith.select %gt3A_620, %select_n3A_619, %select_n3A_574 : vector<16xi1>, vector<16xi32>
        %select_n3A_623 = arith.select %gt3A_620, %select_n3A_573, %select_n3A_618 : vector<16xi1>, vector<16xf32>
        %select_n3A_624 = arith.select %gt3A_620, %select_n3A_574, %select_n3A_619 : vector<16xi1>, vector<16xi32>
        %gt3A_625 = arith.cmpf ogt, %select_n3A_623, %select_n3A_578 : vector<16xf32>
        %select_n3A_626 = arith.select %gt3A_625, %select_n3A_623, %select_n3A_578 : vector<16xi1>, vector<16xf32>
        %select_n3A_627 = arith.select %gt3A_625, %select_n3A_624, %select_n3A_579 : vector<16xi1>, vector<16xi32>
        %select_n3A_628 = arith.select %gt3A_625, %select_n3A_578, %select_n3A_623 : vector<16xi1>, vector<16xf32>
        %select_n3A_629 = arith.select %gt3A_625, %select_n3A_579, %select_n3A_624 : vector<16xi1>, vector<16xi32>
        %gt3A_630 = arith.cmpf ogt, %select_n3A_628, %select_n3A_583 : vector<16xf32>
        %select_n3A_631 = arith.select %gt3A_630, %select_n3A_628, %select_n3A_583 : vector<16xi1>, vector<16xf32>
        %select_n3A_632 = arith.select %gt3A_630, %select_n3A_629, %select_n3A_584 : vector<16xi1>, vector<16xi32>
        %select_n3A_633 = arith.select %gt3A_630, %select_n3A_583, %select_n3A_628 : vector<16xi1>, vector<16xf32>
        %select_n3A_634 = arith.select %gt3A_630, %select_n3A_584, %select_n3A_629 : vector<16xi1>, vector<16xi32>
        %gt3A_635 = arith.cmpf ogt, %select_n3A_633, %select_n3A_588 : vector<16xf32>
        %select_n3A_636 = arith.select %gt3A_635, %select_n3A_633, %select_n3A_588 : vector<16xi1>, vector<16xf32>
        %select_n3A_637 = arith.select %gt3A_635, %select_n3A_634, %select_n3A_589 : vector<16xi1>, vector<16xi32>
        %select_n3A_638 = arith.select %gt3A_635, %select_n3A_588, %select_n3A_633 : vector<16xi1>, vector<16xf32>
        %select_n3A_639 = arith.select %gt3A_635, %select_n3A_589, %select_n3A_634 : vector<16xi1>, vector<16xi32>
        %gt3A_640 = arith.cmpf ogt, %select_n3A_638, %select_n3A_593 : vector<16xf32>
        %select_n3A_641 = arith.select %gt3A_640, %select_n3A_638, %select_n3A_593 : vector<16xi1>, vector<16xf32>
        %select_n3A_642 = arith.select %gt3A_640, %select_n3A_639, %select_n3A_594 : vector<16xi1>, vector<16xi32>
        %select_n3A_643 = arith.select %gt3A_640, %select_n3A_593, %select_n3A_638 : vector<16xi1>, vector<16xf32>
        %select_n3A_644 = arith.select %gt3A_640, %select_n3A_594, %select_n3A_639 : vector<16xi1>, vector<16xi32>
        %gt3A_645 = arith.cmpf ogt, %select_n3A_643, %select_n3A_598 : vector<16xf32>
        %select_n3A_646 = arith.select %gt3A_645, %select_n3A_643, %select_n3A_598 : vector<16xi1>, vector<16xf32>
        %select_n3A_647 = arith.select %gt3A_645, %select_n3A_644, %select_n3A_599 : vector<16xi1>, vector<16xi32>
        %select_n3A_648 = arith.select %gt3A_645, %select_n3A_598, %select_n3A_643 : vector<16xi1>, vector<16xf32>
        %select_n3A_649 = arith.select %gt3A_645, %select_n3A_599, %select_n3A_644 : vector<16xi1>, vector<16xi32>
        scf.yield %select_n3A_611, %select_n3A_616, %select_n3A_621, %select_n3A_626, %select_n3A_631, %select_n3A_636, %select_n3A_641, %select_n3A_646, %select_n3A_612, %select_n3A_617, %select_n3A_622, %select_n3A_627, %select_n3A_632, %select_n3A_637, %select_n3A_642, %select_n3A_647 : vector<16xf32>, vector<16xf32>, vector<16xf32>, vector<16xf32>, vector<16xf32>, vector<16xf32>, vector<16xf32>, vector<16xf32>, vector<16xi32>, vector<16xi32>, vector<16xi32>, vector<16xi32>, vector<16xi32>, vector<16xi32>, vector<16xi32>, vector<16xi32>
      }
      %scan3A_42 = arith.constant 32 : i32
      %sub3A = arith.subf %scan3A_41#0, %scan3A_41#0 : vector<16xf32>
      %exp3A = math.exp %sub3A : vector<16xf32>
      %sub3A_43 = arith.subf %scan3A_41#1, %scan3A_41#0 : vector<16xf32>
      %exp3A_44 = math.exp %sub3A_43 : vector<16xf32>
      %sub3A_45 = arith.subf %scan3A_41#2, %scan3A_41#0 : vector<16xf32>
      %exp3A_46 = math.exp %sub3A_45 : vector<16xf32>
      %sub3A_47 = arith.subf %scan3A_41#3, %scan3A_41#0 : vector<16xf32>
      %exp3A_48 = math.exp %sub3A_47 : vector<16xf32>
      %sub3A_49 = arith.subf %scan3A_41#4, %scan3A_41#0 : vector<16xf32>
      %exp3A_50 = math.exp %sub3A_49 : vector<16xf32>
      %sub3A_51 = arith.subf %scan3A_41#5, %scan3A_41#0 : vector<16xf32>
      %exp3A_52 = math.exp %sub3A_51 : vector<16xf32>
      %sub3A_53 = arith.subf %scan3A_41#6, %scan3A_41#0 : vector<16xf32>
      %exp3A_54 = math.exp %sub3A_53 : vector<16xf32>
      %sub3A_55 = arith.subf %scan3A_41#7, %scan3A_41#0 : vector<16xf32>
      %exp3A_56 = math.exp %sub3A_55 : vector<16xf32>
      %add3A_57 = arith.addf %exp3A, %exp3A_44 : vector<16xf32>
      %add3A_58 = arith.addf %add3A_57, %exp3A_46 : vector<16xf32>
      %add3A_59 = arith.addf %add3A_58, %exp3A_48 : vector<16xf32>
      %add3A_60 = arith.addf %add3A_59, %exp3A_50 : vector<16xf32>
      %add3A_61 = arith.addf %add3A_60, %exp3A_52 : vector<16xf32>
      %add3A_62 = arith.addf %add3A_61, %exp3A_54 : vector<16xf32>
      %add3A_63 = arith.addf %add3A_62, %exp3A_56 : vector<16xf32>
      %div3A = arith.constant 1.000000e+00 : f32
      %div3A_64 = vector.broadcast %div3A : f32 to vector<16xf32>
      %div3A_65 = arith.divf %div3A_64, %add3A_63 : vector<16xf32>
      %mul3A_66 = arith.constant 64 : i32
      %mul3A_67 = arith.muli %mul3A_34, %mul3A_66 : i32
      %add3A_68 = arith.constant 0 : i32
      %add3A_69 = arith.addi %mul3A_67, %add3A_68 : i32
      %swap3A_70 = arith.index_cast %add3A_69 : i32 to index
      %swap3A_71 = tpu.vector_load %arg7[%swap3A_70] {strides = array<i32>} : memref<16384xf32, #tpu.memory_space<vmem>>, vector<16xf32>,
      tpu.vector_store %arg7[%swap3A_70], %broadcast_in_dim3A_3 {strides = array<i32>} : memref<16384xf32, #tpu.memory_space<vmem>>, vector<16xf32>,
      %mul3A_72 = arith.constant 64 : i32
      %mul3A_73 = arith.muli %mul3A_34, %mul3A_72 : i32
      %add3A_74 = arith.constant 16 : i32
      %add3A_75 = arith.addi %mul3A_73, %add3A_74 : i32
      %swap3A_76 = arith.index_cast %add3A_75 : i32 to index
      %swap3A_77 = tpu.vector_load %arg7[%swap3A_76] {strides = array<i32>} : memref<16384xf32, #tpu.memory_space<vmem>>, vector<16xf32>,
      tpu.vector_store %arg7[%swap3A_76], %broadcast_in_dim3A_3 {strides = array<i32>} : memref<16384xf32, #tpu.memory_space<vmem>>, vector<16xf32>,
      %mul3A_78 = arith.constant 64 : i32
      %mul3A_79 = arith.muli %mul3A_34, %mul3A_78 : i32
      %add3A_80 = arith.constant 32 : i32
      %add3A_81 = arith.addi %mul3A_79, %add3A_80 : i32
      %swap3A_82 = arith.index_cast %add3A_81 : i32 to index
      %swap3A_83 = tpu.vector_load %arg7[%swap3A_82] {strides = array<i32>} : memref<16384xf32, #tpu.memory_space<vmem>>, vector<16xf32>,
      tpu.vector_store %arg7[%swap3A_82], %broadcast_in_dim3A_3 {strides = array<i32>} : memref<16384xf32, #tpu.memory_space<vmem>>, vector<16xf32>,
      %mul3A_84 = arith.constant 64 : i32
      %mul3A_85 = arith.muli %mul3A_34, %mul3A_84 : i32
      %add3A_86 = arith.constant 48 : i32
      %add3A_87 = arith.addi %mul3A_85, %add3A_86 : i32
      %swap3A_88 = arith.index_cast %add3A_87 : i32 to index
      %swap3A_89 = tpu.vector_load %arg7[%swap3A_88] {strides = array<i32>} : memref<16384xf32, #tpu.memory_space<vmem>>, vector<16xf32>,
      tpu.vector_store %arg7[%swap3A_88], %broadcast_in_dim3A_3 {strides = array<i32>} : memref<16384xf32, #tpu.memory_space<vmem>>, vector<16xf32>,
      %mul3A_90 = arith.constant 64 : i32
      %mul3A_91 = arith.muli %mul3A_34, %mul3A_90 : i32
      %add3A_92 = arith.constant 64 : i32
      %add3A_93 = arith.addi %mul3A_91, %add3A_92 : i32
      %swap3A_94 = arith.index_cast %add3A_93 : i32 to index
      %swap3A_95 = tpu.vector_load %arg7[%swap3A_94] {strides = array<i32>} : memref<16384xf32, #tpu.memory_space<vmem>>, vector<16xf32>,
      tpu.vector_store %arg7[%swap3A_94], %broadcast_in_dim3A_3 {strides = array<i32>} : memref<16384xf32, #tpu.memory_space<vmem>>, vector<16xf32>,
      %mul3A_96 = arith.constant 64 : i32
      %mul3A_97 = arith.muli %mul3A_34, %mul3A_96 : i32
      %add3A_98 = arith.constant 80 : i32
      %add3A_99 = arith.addi %mul3A_97, %add3A_98 : i32
      %swap3A_100 = arith.index_cast %add3A_99 : i32 to index
      %swap3A_101 = tpu.vector_load %arg7[%swap3A_100] {strides = array<i32>} : memref<16384xf32, #tpu.memory_space<vmem>>, vector<16xf32>,
      tpu.vector_store %arg7[%swap3A_100], %broadcast_in_dim3A_3 {strides = array<i32>} : memref<16384xf32, #tpu.memory_space<vmem>>, vector<16xf32>,
      %mul3A_102 = arith.constant 64 : i32
      %mul3A_103 = arith.muli %mul3A_34, %mul3A_102 : i32
      %add3A_104 = arith.constant 96 : i32
      %add3A_105 = arith.addi %mul3A_103, %add3A_104 : i32
      %swap3A_106 = arith.index_cast %add3A_105 : i32 to index
      %swap3A_107 = tpu.vector_load %arg7[%swap3A_106] {strides = array<i32>} : memref<16384xf32, #tpu.memory_space<vmem>>, vector<16xf32>,
      tpu.vector_store %arg7[%swap3A_106], %broadcast_in_dim3A_3 {strides = array<i32>} : memref<16384xf32, #tpu.memory_space<vmem>>, vector<16xf32>,
      %mul3A_108 = arith.constant 64 : i32
      %mul3A_109 = arith.muli %mul3A_34, %mul3A_108 : i32
      %add3A_110 = arith.constant 112 : i32
      %add3A_111 = arith.addi %mul3A_109, %add3A_110 : i32
      %swap3A_112 = arith.index_cast %add3A_111 : i32 to index
      %swap3A_113 = tpu.vector_load %arg7[%swap3A_112] {strides = array<i32>} : memref<16384xf32, #tpu.memory_space<vmem>>, vector<16xf32>,
      tpu.vector_store %arg7[%swap3A_112], %broadcast_in_dim3A_3 {strides = array<i32>} : memref<16384xf32, #tpu.memory_space<vmem>>, vector<16xf32>,
      %mul3A_114 = arith.constant 64 : i32
      %mul3A_115 = arith.muli %mul3A_34, %mul3A_114 : i32
      %add3A_116 = arith.constant 128 : i32
      %add3A_117 = arith.addi %mul3A_115, %add3A_116 : i32
      %swap3A_118 = arith.index_cast %add3A_117 : i32 to index
      %swap3A_119 = tpu.vector_load %arg7[%swap3A_118] {strides = array<i32>} : memref<16384xf32, #tpu.memory_space<vmem>>, vector<16xf32>,
      tpu.vector_store %arg7[%swap3A_118], %broadcast_in_dim3A_3 {strides = array<i32>} : memref<16384xf32, #tpu.memory_space<vmem>>, vector<16xf32>,
      %mul3A_120 = arith.constant 64 : i32
      %mul3A_121 = arith.muli %mul3A_34, %mul3A_120 : i32
      %add3A_122 = arith.constant 144 : i32
      %add3A_123 = arith.addi %mul3A_121, %add3A_122 : i32
      %swap3A_124 = arith.index_cast %add3A_123 : i32 to index
      %swap3A_125 = tpu.vector_load %arg7[%swap3A_124] {strides = array<i32>} : memref<16384xf32, #tpu.memory_space<vmem>>, vector<16xf32>,
      tpu.vector_store %arg7[%swap3A_124], %broadcast_in_dim3A_3 {strides = array<i32>} : memref<16384xf32, #tpu.memory_space<vmem>>, vector<16xf32>,
      %mul3A_126 = arith.constant 64 : i32
      %mul3A_127 = arith.muli %mul3A_34, %mul3A_126 : i32
      %add3A_128 = arith.constant 160 : i32
      %add3A_129 = arith.addi %mul3A_127, %add3A_128 : i32
      %swap3A_130 = arith.index_cast %add3A_129 : i32 to index
      %swap3A_131 = tpu.vector_load %arg7[%swap3A_130] {strides = array<i32>} : memref<16384xf32, #tpu.memory_space<vmem>>, vector<16xf32>,
      tpu.vector_store %arg7[%swap3A_130], %broadcast_in_dim3A_3 {strides = array<i32>} : memref<16384xf32, #tpu.memory_space<vmem>>, vector<16xf32>,
      %mul3A_132 = arith.constant 64 : i32
      %mul3A_133 = arith.muli %mul3A_34, %mul3A_132 : i32
      %add3A_134 = arith.constant 176 : i32
      %add3A_135 = arith.addi %mul3A_133, %add3A_134 : i32
      %swap3A_136 = arith.index_cast %add3A_135 : i32 to index
      %swap3A_137 = tpu.vector_load %arg7[%swap3A_136] {strides = array<i32>} : memref<16384xf32, #tpu.memory_space<vmem>>, vector<16xf32>,
      tpu.vector_store %arg7[%swap3A_136], %broadcast_in_dim3A_3 {strides = array<i32>} : memref<16384xf32, #tpu.memory_space<vmem>>, vector<16xf32>,
      %mul3A_138 = arith.constant 64 : i32
      %mul3A_139 = arith.muli %mul3A_34, %mul3A_138 : i32
      %add3A_140 = arith.constant 192 : i32
      %add3A_141 = arith.addi %mul3A_139, %add3A_140 : i32
      %swap3A_142 = arith.index_cast %add3A_141 : i32 to index
      %swap3A_143 = tpu.vector_load %arg7[%swap3A_142] {strides = array<i32>} : memref<16384xf32, #tpu.memory_space<vmem>>, vector<16xf32>,
      tpu.vector_store %arg7[%swap3A_142], %broadcast_in_dim3A_3 {strides = array<i32>} : memref<16384xf32, #tpu.memory_space<vmem>>, vector<16xf32>,
      %mul3A_144 = arith.constant 64 : i32
      %mul3A_145 = arith.muli %mul3A_34, %mul3A_144 : i32
      %add3A_146 = arith.constant 208 : i32
      %add3A_147 = arith.addi %mul3A_145, %add3A_146 : i32
      %swap3A_148 = arith.index_cast %add3A_147 : i32 to index
      %swap3A_149 = tpu.vector_load %arg7[%swap3A_148] {strides = array<i32>} : memref<16384xf32, #tpu.memory_space<vmem>>, vector<16xf32>,
      tpu.vector_store %arg7[%swap3A_148], %broadcast_in_dim3A_3 {strides = array<i32>} : memref<16384xf32, #tpu.memory_space<vmem>>, vector<16xf32>,
      %mul3A_150 = arith.constant 64 : i32
      %mul3A_151 = arith.muli %mul3A_34, %mul3A_150 : i32
      %add3A_152 = arith.constant 224 : i32
      %add3A_153 = arith.addi %mul3A_151, %add3A_152 : i32
      %swap3A_154 = arith.index_cast %add3A_153 : i32 to index
      %swap3A_155 = tpu.vector_load %arg7[%swap3A_154] {strides = array<i32>} : memref<16384xf32, #tpu.memory_space<vmem>>, vector<16xf32>,
      tpu.vector_store %arg7[%swap3A_154], %broadcast_in_dim3A_3 {strides = array<i32>} : memref<16384xf32, #tpu.memory_space<vmem>>, vector<16xf32>,
      %mul3A_156 = arith.constant 64 : i32
      %mul3A_157 = arith.muli %mul3A_34, %mul3A_156 : i32
      %add3A_158 = arith.constant 240 : i32
      %add3A_159 = arith.addi %mul3A_157, %add3A_158 : i32
      %swap3A_160 = arith.index_cast %add3A_159 : i32 to index
      %swap3A_161 = tpu.vector_load %arg7[%swap3A_160] {strides = array<i32>} : memref<16384xf32, #tpu.memory_space<vmem>>, vector<16xf32>,
      tpu.vector_store %arg7[%swap3A_160], %broadcast_in_dim3A_3 {strides = array<i32>} : memref<16384xf32, #tpu.memory_space<vmem>>, vector<16xf32>,
      %mul3A_162 = arith.constant 64 : i32
      %mul3A_163 = arith.muli %mul3A_34, %mul3A_162 : i32
      %add3A_164 = arith.constant 256 : i32
      %add3A_165 = arith.addi %mul3A_163, %add3A_164 : i32
      %swap3A_166 = arith.index_cast %add3A_165 : i32 to index
      %swap3A_167 = tpu.vector_load %arg7[%swap3A_166] {strides = array<i32>} : memref<16384xf32, #tpu.memory_space<vmem>>, vector<16xf32>,
      tpu.vector_store %arg7[%swap3A_166], %broadcast_in_dim3A_3 {strides = array<i32>} : memref<16384xf32, #tpu.memory_space<vmem>>, vector<16xf32>,
      %mul3A_168 = arith.constant 64 : i32
      %mul3A_169 = arith.muli %mul3A_34, %mul3A_168 : i32
      %add3A_170 = arith.constant 272 : i32
      %add3A_171 = arith.addi %mul3A_169, %add3A_170 : i32
      %swap3A_172 = arith.index_cast %add3A_171 : i32 to index
      %swap3A_173 = tpu.vector_load %arg7[%swap3A_172] {strides = array<i32>} : memref<16384xf32, #tpu.memory_space<vmem>>, vector<16xf32>,
      tpu.vector_store %arg7[%swap3A_172], %broadcast_in_dim3A_3 {strides = array<i32>} : memref<16384xf32, #tpu.memory_space<vmem>>, vector<16xf32>,
      %mul3A_174 = arith.constant 64 : i32
      %mul3A_175 = arith.muli %mul3A_34, %mul3A_174 : i32
      %add3A_176 = arith.constant 288 : i32
      %add3A_177 = arith.addi %mul3A_175, %add3A_176 : i32
      %swap3A_178 = arith.index_cast %add3A_177 : i32 to index
      %swap3A_179 = tpu.vector_load %arg7[%swap3A_178] {strides = array<i32>} : memref<16384xf32, #tpu.memory_space<vmem>>, vector<16xf32>,
      tpu.vector_store %arg7[%swap3A_178], %broadcast_in_dim3A_3 {strides = array<i32>} : memref<16384xf32, #tpu.memory_space<vmem>>, vector<16xf32>,
      %mul3A_180 = arith.constant 64 : i32
      %mul3A_181 = arith.muli %mul3A_34, %mul3A_180 : i32
      %add3A_182 = arith.constant 304 : i32
      %add3A_183 = arith.addi %mul3A_181, %add3A_182 : i32
      %swap3A_184 = arith.index_cast %add3A_183 : i32 to index
      %swap3A_185 = tpu.vector_load %arg7[%swap3A_184] {strides = array<i32>} : memref<16384xf32, #tpu.memory_space<vmem>>, vector<16xf32>,
      tpu.vector_store %arg7[%swap3A_184], %broadcast_in_dim3A_3 {strides = array<i32>} : memref<16384xf32, #tpu.memory_space<vmem>>, vector<16xf32>,
      %mul3A_186 = arith.constant 64 : i32
      %mul3A_187 = arith.muli %mul3A_34, %mul3A_186 : i32
      %add3A_188 = arith.constant 320 : i32
      %add3A_189 = arith.addi %mul3A_187, %add3A_188 : i32
      %swap3A_190 = arith.index_cast %add3A_189 : i32 to index
      %swap3A_191 = tpu.vector_load %arg7[%swap3A_190] {strides = array<i32>} : memref<16384xf32, #tpu.memory_space<vmem>>, vector<16xf32>,
      tpu.vector_store %arg7[%swap3A_190], %broadcast_in_dim3A_3 {strides = array<i32>} : memref<16384xf32, #tpu.memory_space<vmem>>, vector<16xf32>,
      %mul3A_192 = arith.constant 64 : i32
      %mul3A_193 = arith.muli %mul3A_34, %mul3A_192 : i32
      %add3A_194 = arith.constant 336 : i32
      %add3A_195 = arith.addi %mul3A_193, %add3A_194 : i32
      %swap3A_196 = arith.index_cast %add3A_195 : i32 to index
      %swap3A_197 = tpu.vector_load %arg7[%swap3A_196] {strides = array<i32>} : memref<16384xf32, #tpu.memory_space<vmem>>, vector<16xf32>,
      tpu.vector_store %arg7[%swap3A_196], %broadcast_in_dim3A_3 {strides = array<i32>} : memref<16384xf32, #tpu.memory_space<vmem>>, vector<16xf32>,
      %mul3A_198 = arith.constant 64 : i32
      %mul3A_199 = arith.muli %mul3A_34, %mul3A_198 : i32
      %add3A_200 = arith.constant 352 : i32
      %add3A_201 = arith.addi %mul3A_199, %add3A_200 : i32
      %swap3A_202 = arith.index_cast %add3A_201 : i32 to index
      %swap3A_203 = tpu.vector_load %arg7[%swap3A_202] {strides = array<i32>} : memref<16384xf32, #tpu.memory_space<vmem>>, vector<16xf32>,
      tpu.vector_store %arg7[%swap3A_202], %broadcast_in_dim3A_3 {strides = array<i32>} : memref<16384xf32, #tpu.memory_space<vmem>>, vector<16xf32>,
      %mul3A_204 = arith.constant 64 : i32
      %mul3A_205 = arith.muli %mul3A_34, %mul3A_204 : i32
      %add3A_206 = arith.constant 368 : i32
      %add3A_207 = arith.addi %mul3A_205, %add3A_206 : i32
      %swap3A_208 = arith.index_cast %add3A_207 : i32 to index
      %swap3A_209 = tpu.vector_load %arg7[%swap3A_208] {strides = array<i32>} : memref<16384xf32, #tpu.memory_space<vmem>>, vector<16xf32>,
      tpu.vector_store %arg7[%swap3A_208], %broadcast_in_dim3A_3 {strides = array<i32>} : memref<16384xf32, #tpu.memory_space<vmem>>, vector<16xf32>,
      %mul3A_210 = arith.constant 64 : i32
      %mul3A_211 = arith.muli %mul3A_34, %mul3A_210 : i32
      %add3A_212 = arith.constant 384 : i32
      %add3A_213 = arith.addi %mul3A_211, %add3A_212 : i32
      %swap3A_214 = arith.index_cast %add3A_213 : i32 to index
      %swap3A_215 = tpu.vector_load %arg7[%swap3A_214] {strides = array<i32>} : memref<16384xf32, #tpu.memory_space<vmem>>, vector<16xf32>,
      tpu.vector_store %arg7[%swap3A_214], %broadcast_in_dim3A_3 {strides = array<i32>} : memref<16384xf32, #tpu.memory_space<vmem>>, vector<16xf32>,
      %mul3A_216 = arith.constant 64 : i32
      %mul3A_217 = arith.muli %mul3A_34, %mul3A_216 : i32
      %add3A_218 = arith.constant 400 : i32
      %add3A_219 = arith.addi %mul3A_217, %add3A_218 : i32
      %swap3A_220 = arith.index_cast %add3A_219 : i32 to index
      %swap3A_221 = tpu.vector_load %arg7[%swap3A_220] {strides = array<i32>} : memref<16384xf32, #tpu.memory_space<vmem>>, vector<16xf32>,
      tpu.vector_store %arg7[%swap3A_220], %broadcast_in_dim3A_3 {strides = array<i32>} : memref<16384xf32, #tpu.memory_space<vmem>>, vector<16xf32>,
      %mul3A_222 = arith.constant 64 : i32
      %mul3A_223 = arith.muli %mul3A_34, %mul3A_222 : i32
      %add3A_224 = arith.constant 416 : i32
      %add3A_225 = arith.addi %mul3A_223, %add3A_224 : i32
      %swap3A_226 = arith.index_cast %add3A_225 : i32 to index
      %swap3A_227 = tpu.vector_load %arg7[%swap3A_226] {strides = array<i32>} : memref<16384xf32, #tpu.memory_space<vmem>>, vector<16xf32>,
      tpu.vector_store %arg7[%swap3A_226], %broadcast_in_dim3A_3 {strides = array<i32>} : memref<16384xf32, #tpu.memory_space<vmem>>, vector<16xf32>,
      %mul3A_228 = arith.constant 64 : i32
      %mul3A_229 = arith.muli %mul3A_34, %mul3A_228 : i32
      %add3A_230 = arith.constant 432 : i32
      %add3A_231 = arith.addi %mul3A_229, %add3A_230 : i32
      %swap3A_232 = arith.index_cast %add3A_231 : i32 to index
      %swap3A_233 = tpu.vector_load %arg7[%swap3A_232] {strides = array<i32>} : memref<16384xf32, #tpu.memory_space<vmem>>, vector<16xf32>,
      tpu.vector_store %arg7[%swap3A_232], %broadcast_in_dim3A_3 {strides = array<i32>} : memref<16384xf32, #tpu.memory_space<vmem>>, vector<16xf32>,
      %mul3A_234 = arith.constant 64 : i32
      %mul3A_235 = arith.muli %mul3A_34, %mul3A_234 : i32
      %add3A_236 = arith.constant 448 : i32
      %add3A_237 = arith.addi %mul3A_235, %add3A_236 : i32
      %swap3A_238 = arith.index_cast %add3A_237 : i32 to index
      %swap3A_239 = tpu.vector_load %arg7[%swap3A_238] {strides = array<i32>} : memref<16384xf32, #tpu.memory_space<vmem>>, vector<16xf32>,
      tpu.vector_store %arg7[%swap3A_238], %broadcast_in_dim3A_3 {strides = array<i32>} : memref<16384xf32, #tpu.memory_space<vmem>>, vector<16xf32>,
      %mul3A_240 = arith.constant 64 : i32
      %mul3A_241 = arith.muli %mul3A_34, %mul3A_240 : i32
      %add3A_242 = arith.constant 464 : i32
      %add3A_243 = arith.addi %mul3A_241, %add3A_242 : i32
      %swap3A_244 = arith.index_cast %add3A_243 : i32 to index
      %swap3A_245 = tpu.vector_load %arg7[%swap3A_244] {strides = array<i32>} : memref<16384xf32, #tpu.memory_space<vmem>>, vector<16xf32>,
      tpu.vector_store %arg7[%swap3A_244], %broadcast_in_dim3A_3 {strides = array<i32>} : memref<16384xf32, #tpu.memory_space<vmem>>, vector<16xf32>,
      %mul3A_246 = arith.constant 64 : i32
      %mul3A_247 = arith.muli %mul3A_34, %mul3A_246 : i32
      %add3A_248 = arith.constant 480 : i32
      %add3A_249 = arith.addi %mul3A_247, %add3A_248 : i32
      %swap3A_250 = arith.index_cast %add3A_249 : i32 to index
      %swap3A_251 = tpu.vector_load %arg7[%swap3A_250] {strides = array<i32>} : memref<16384xf32, #tpu.memory_space<vmem>>, vector<16xf32>,
      tpu.vector_store %arg7[%swap3A_250], %broadcast_in_dim3A_3 {strides = array<i32>} : memref<16384xf32, #tpu.memory_space<vmem>>, vector<16xf32>,
      %mul3A_252 = arith.constant 64 : i32
      %mul3A_253 = arith.muli %mul3A_34, %mul3A_252 : i32
      %add3A_254 = arith.constant 496 : i32
      %add3A_255 = arith.addi %mul3A_253, %add3A_254 : i32
      %swap3A_256 = arith.index_cast %add3A_255 : i32 to index
      %swap3A_257 = tpu.vector_load %arg7[%swap3A_256] {strides = array<i32>} : memref<16384xf32, #tpu.memory_space<vmem>>, vector<16xf32>,
      tpu.vector_store %arg7[%swap3A_256], %broadcast_in_dim3A_3 {strides = array<i32>} : memref<16384xf32, #tpu.memory_space<vmem>>, vector<16xf32>,
      %mul3A_258 = arith.constant 64 : i32
      %mul3A_259 = arith.muli %mul3A_34, %mul3A_258 : i32
      %add3A_260 = arith.constant 512 : i32
      %add3A_261 = arith.addi %mul3A_259, %add3A_260 : i32
      %swap3A_262 = arith.index_cast %add3A_261 : i32 to index
      %swap3A_263 = tpu.vector_load %arg7[%swap3A_262] {strides = array<i32>} : memref<16384xf32, #tpu.memory_space<vmem>>, vector<16xf32>,
      tpu.vector_store %arg7[%swap3A_262], %broadcast_in_dim3A_3 {strides = array<i32>} : memref<16384xf32, #tpu.memory_space<vmem>>, vector<16xf32>,
      %mul3A_264 = arith.constant 64 : i32
      %mul3A_265 = arith.muli %mul3A_34, %mul3A_264 : i32
      %add3A_266 = arith.constant 528 : i32
      %add3A_267 = arith.addi %mul3A_265, %add3A_266 : i32
      %swap3A_268 = arith.index_cast %add3A_267 : i32 to index
      %swap3A_269 = tpu.vector_load %arg7[%swap3A_268] {strides = array<i32>} : memref<16384xf32, #tpu.memory_space<vmem>>, vector<16xf32>,
      tpu.vector_store %arg7[%swap3A_268], %broadcast_in_dim3A_3 {strides = array<i32>} : memref<16384xf32, #tpu.memory_space<vmem>>, vector<16xf32>,
      %mul3A_270 = arith.constant 64 : i32
      %mul3A_271 = arith.muli %mul3A_34, %mul3A_270 : i32
      %add3A_272 = arith.constant 544 : i32
      %add3A_273 = arith.addi %mul3A_271, %add3A_272 : i32
      %swap3A_274 = arith.index_cast %add3A_273 : i32 to index
      %swap3A_275 = tpu.vector_load %arg7[%swap3A_274] {strides = array<i32>} : memref<16384xf32, #tpu.memory_space<vmem>>, vector<16xf32>,
      tpu.vector_store %arg7[%swap3A_274], %broadcast_in_dim3A_3 {strides = array<i32>} : memref<16384xf32, #tpu.memory_space<vmem>>, vector<16xf32>,
      %mul3A_276 = arith.constant 64 : i32
      %mul3A_277 = arith.muli %mul3A_34, %mul3A_276 : i32
      %add3A_278 = arith.constant 560 : i32
      %add3A_279 = arith.addi %mul3A_277, %add3A_278 : i32
      %swap3A_280 = arith.index_cast %add3A_279 : i32 to index
      %swap3A_281 = tpu.vector_load %arg7[%swap3A_280] {strides = array<i32>} : memref<16384xf32, #tpu.memory_space<vmem>>, vector<16xf32>,
      tpu.vector_store %arg7[%swap3A_280], %broadcast_in_dim3A_3 {strides = array<i32>} : memref<16384xf32, #tpu.memory_space<vmem>>, vector<16xf32>,
      %mul3A_282 = arith.constant 64 : i32
      %mul3A_283 = arith.muli %mul3A_34, %mul3A_282 : i32
      %add3A_284 = arith.constant 576 : i32
      %add3A_285 = arith.addi %mul3A_283, %add3A_284 : i32
      %swap3A_286 = arith.index_cast %add3A_285 : i32 to index
      %swap3A_287 = tpu.vector_load %arg7[%swap3A_286] {strides = array<i32>} : memref<16384xf32, #tpu.memory_space<vmem>>, vector<16xf32>,
      tpu.vector_store %arg7[%swap3A_286], %broadcast_in_dim3A_3 {strides = array<i32>} : memref<16384xf32, #tpu.memory_space<vmem>>, vector<16xf32>,
      %mul3A_288 = arith.constant 64 : i32
      %mul3A_289 = arith.muli %mul3A_34, %mul3A_288 : i32
      %add3A_290 = arith.constant 592 : i32
      %add3A_291 = arith.addi %mul3A_289, %add3A_290 : i32
      %swap3A_292 = arith.index_cast %add3A_291 : i32 to index
      %swap3A_293 = tpu.vector_load %arg7[%swap3A_292] {strides = array<i32>} : memref<16384xf32, #tpu.memory_space<vmem>>, vector<16xf32>,
      tpu.vector_store %arg7[%swap3A_292], %broadcast_in_dim3A_3 {strides = array<i32>} : memref<16384xf32, #tpu.memory_space<vmem>>, vector<16xf32>,
      %mul3A_294 = arith.constant 64 : i32
      %mul3A_295 = arith.muli %mul3A_34, %mul3A_294 : i32
      %add3A_296 = arith.constant 608 : i32
      %add3A_297 = arith.addi %mul3A_295, %add3A_296 : i32
      %swap3A_298 = arith.index_cast %add3A_297 : i32 to index
      %swap3A_299 = tpu.vector_load %arg7[%swap3A_298] {strides = array<i32>} : memref<16384xf32, #tpu.memory_space<vmem>>, vector<16xf32>,
      tpu.vector_store %arg7[%swap3A_298], %broadcast_in_dim3A_3 {strides = array<i32>} : memref<16384xf32, #tpu.memory_space<vmem>>, vector<16xf32>,
      %mul3A_300 = arith.constant 64 : i32
      %mul3A_301 = arith.muli %mul3A_34, %mul3A_300 : i32
      %add3A_302 = arith.constant 624 : i32
      %add3A_303 = arith.addi %mul3A_301, %add3A_302 : i32
      %swap3A_304 = arith.index_cast %add3A_303 : i32 to index
      %swap3A_305 = tpu.vector_load %arg7[%swap3A_304] {strides = array<i32>} : memref<16384xf32, #tpu.memory_space<vmem>>, vector<16xf32>,
      tpu.vector_store %arg7[%swap3A_304], %broadcast_in_dim3A_3 {strides = array<i32>} : memref<16384xf32, #tpu.memory_space<vmem>>, vector<16xf32>,
      %mul3A_306 = arith.constant 64 : i32
      %mul3A_307 = arith.muli %mul3A_34, %mul3A_306 : i32
      %add3A_308 = arith.constant 640 : i32
      %add3A_309 = arith.addi %mul3A_307, %add3A_308 : i32
      %swap3A_310 = arith.index_cast %add3A_309 : i32 to index
      %swap3A_311 = tpu.vector_load %arg7[%swap3A_310] {strides = array<i32>} : memref<16384xf32, #tpu.memory_space<vmem>>, vector<16xf32>,
      tpu.vector_store %arg7[%swap3A_310], %broadcast_in_dim3A_3 {strides = array<i32>} : memref<16384xf32, #tpu.memory_space<vmem>>, vector<16xf32>,
      %mul3A_312 = arith.constant 64 : i32
      %mul3A_313 = arith.muli %mul3A_34, %mul3A_312 : i32
      %add3A_314 = arith.constant 656 : i32
      %add3A_315 = arith.addi %mul3A_313, %add3A_314 : i32
      %swap3A_316 = arith.index_cast %add3A_315 : i32 to index
      %swap3A_317 = tpu.vector_load %arg7[%swap3A_316] {strides = array<i32>} : memref<16384xf32, #tpu.memory_space<vmem>>, vector<16xf32>,
      tpu.vector_store %arg7[%swap3A_316], %broadcast_in_dim3A_3 {strides = array<i32>} : memref<16384xf32, #tpu.memory_space<vmem>>, vector<16xf32>,
      %mul3A_318 = arith.constant 64 : i32
      %mul3A_319 = arith.muli %mul3A_34, %mul3A_318 : i32
      %add3A_320 = arith.constant 672 : i32
      %add3A_321 = arith.addi %mul3A_319, %add3A_320 : i32
      %swap3A_322 = arith.index_cast %add3A_321 : i32 to index
      %swap3A_323 = tpu.vector_load %arg7[%swap3A_322] {strides = array<i32>} : memref<16384xf32, #tpu.memory_space<vmem>>, vector<16xf32>,
      tpu.vector_store %arg7[%swap3A_322], %broadcast_in_dim3A_3 {strides = array<i32>} : memref<16384xf32, #tpu.memory_space<vmem>>, vector<16xf32>,
      %mul3A_324 = arith.constant 64 : i32
      %mul3A_325 = arith.muli %mul3A_34, %mul3A_324 : i32
      %add3A_326 = arith.constant 688 : i32
      %add3A_327 = arith.addi %mul3A_325, %add3A_326 : i32
      %swap3A_328 = arith.index_cast %add3A_327 : i32 to index
      %swap3A_329 = tpu.vector_load %arg7[%swap3A_328] {strides = array<i32>} : memref<16384xf32, #tpu.memory_space<vmem>>, vector<16xf32>,
      tpu.vector_store %arg7[%swap3A_328], %broadcast_in_dim3A_3 {strides = array<i32>} : memref<16384xf32, #tpu.memory_space<vmem>>, vector<16xf32>,
      %mul3A_330 = arith.constant 64 : i32
      %mul3A_331 = arith.muli %mul3A_34, %mul3A_330 : i32
      %add3A_332 = arith.constant 704 : i32
      %add3A_333 = arith.addi %mul3A_331, %add3A_332 : i32
      %swap3A_334 = arith.index_cast %add3A_333 : i32 to index
      %swap3A_335 = tpu.vector_load %arg7[%swap3A_334] {strides = array<i32>} : memref<16384xf32, #tpu.memory_space<vmem>>, vector<16xf32>,
      tpu.vector_store %arg7[%swap3A_334], %broadcast_in_dim3A_3 {strides = array<i32>} : memref<16384xf32, #tpu.memory_space<vmem>>, vector<16xf32>,
      %mul3A_336 = arith.constant 64 : i32
      %mul3A_337 = arith.muli %mul3A_34, %mul3A_336 : i32
      %add3A_338 = arith.constant 720 : i32
      %add3A_339 = arith.addi %mul3A_337, %add3A_338 : i32
      %swap3A_340 = arith.index_cast %add3A_339 : i32 to index
      %swap3A_341 = tpu.vector_load %arg7[%swap3A_340] {strides = array<i32>} : memref<16384xf32, #tpu.memory_space<vmem>>, vector<16xf32>,
      tpu.vector_store %arg7[%swap3A_340], %broadcast_in_dim3A_3 {strides = array<i32>} : memref<16384xf32, #tpu.memory_space<vmem>>, vector<16xf32>,
      %mul3A_342 = arith.constant 64 : i32
      %mul3A_343 = arith.muli %mul3A_34, %mul3A_342 : i32
      %add3A_344 = arith.constant 736 : i32
      %add3A_345 = arith.addi %mul3A_343, %add3A_344 : i32
      %swap3A_346 = arith.index_cast %add3A_345 : i32 to index
      %swap3A_347 = tpu.vector_load %arg7[%swap3A_346] {strides = array<i32>} : memref<16384xf32, #tpu.memory_space<vmem>>, vector<16xf32>,
      tpu.vector_store %arg7[%swap3A_346], %broadcast_in_dim3A_3 {strides = array<i32>} : memref<16384xf32, #tpu.memory_space<vmem>>, vector<16xf32>,
      %mul3A_348 = arith.constant 64 : i32
      %mul3A_349 = arith.muli %mul3A_34, %mul3A_348 : i32
      %add3A_350 = arith.constant 752 : i32
      %add3A_351 = arith.addi %mul3A_349, %add3A_350 : i32
      %swap3A_352 = arith.index_cast %add3A_351 : i32 to index
      %swap3A_353 = tpu.vector_load %arg7[%swap3A_352] {strides = array<i32>} : memref<16384xf32, #tpu.memory_space<vmem>>, vector<16xf32>,
      tpu.vector_store %arg7[%swap3A_352], %broadcast_in_dim3A_3 {strides = array<i32>} : memref<16384xf32, #tpu.memory_space<vmem>>, vector<16xf32>,
      %mul3A_354 = arith.constant 64 : i32
      %mul3A_355 = arith.muli %mul3A_34, %mul3A_354 : i32
      %add3A_356 = arith.constant 768 : i32
      %add3A_357 = arith.addi %mul3A_355, %add3A_356 : i32
      %swap3A_358 = arith.index_cast %add3A_357 : i32 to index
      %swap3A_359 = tpu.vector_load %arg7[%swap3A_358] {strides = array<i32>} : memref<16384xf32, #tpu.memory_space<vmem>>, vector<16xf32>,
      tpu.vector_store %arg7[%swap3A_358], %broadcast_in_dim3A_3 {strides = array<i32>} : memref<16384xf32, #tpu.memory_space<vmem>>, vector<16xf32>,
      %mul3A_360 = arith.constant 64 : i32
      %mul3A_361 = arith.muli %mul3A_34, %mul3A_360 : i32
      %add3A_362 = arith.constant 784 : i32
      %add3A_363 = arith.addi %mul3A_361, %add3A_362 : i32
      %swap3A_364 = arith.index_cast %add3A_363 : i32 to index
      %swap3A_365 = tpu.vector_load %arg7[%swap3A_364] {strides = array<i32>} : memref<16384xf32, #tpu.memory_space<vmem>>, vector<16xf32>,
      tpu.vector_store %arg7[%swap3A_364], %broadcast_in_dim3A_3 {strides = array<i32>} : memref<16384xf32, #tpu.memory_space<vmem>>, vector<16xf32>,
      %mul3A_366 = arith.constant 64 : i32
      %mul3A_367 = arith.muli %mul3A_34, %mul3A_366 : i32
      %add3A_368 = arith.constant 800 : i32
      %add3A_369 = arith.addi %mul3A_367, %add3A_368 : i32
      %swap3A_370 = arith.index_cast %add3A_369 : i32 to index
      %swap3A_371 = tpu.vector_load %arg7[%swap3A_370] {strides = array<i32>} : memref<16384xf32, #tpu.memory_space<vmem>>, vector<16xf32>,
      tpu.vector_store %arg7[%swap3A_370], %broadcast_in_dim3A_3 {strides = array<i32>} : memref<16384xf32, #tpu.memory_space<vmem>>, vector<16xf32>,
      %mul3A_372 = arith.constant 64 : i32
      %mul3A_373 = arith.muli %mul3A_34, %mul3A_372 : i32
      %add3A_374 = arith.constant 816 : i32
      %add3A_375 = arith.addi %mul3A_373, %add3A_374 : i32
      %swap3A_376 = arith.index_cast %add3A_375 : i32 to index
      %swap3A_377 = tpu.vector_load %arg7[%swap3A_376] {strides = array<i32>} : memref<16384xf32, #tpu.memory_space<vmem>>, vector<16xf32>,
      tpu.vector_store %arg7[%swap3A_376], %broadcast_in_dim3A_3 {strides = array<i32>} : memref<16384xf32, #tpu.memory_space<vmem>>, vector<16xf32>,
      %mul3A_378 = arith.constant 64 : i32
      %mul3A_379 = arith.muli %mul3A_34, %mul3A_378 : i32
      %add3A_380 = arith.constant 832 : i32
      %add3A_381 = arith.addi %mul3A_379, %add3A_380 : i32
      %swap3A_382 = arith.index_cast %add3A_381 : i32 to index
      %swap3A_383 = tpu.vector_load %arg7[%swap3A_382] {strides = array<i32>} : memref<16384xf32, #tpu.memory_space<vmem>>, vector<16xf32>,
      tpu.vector_store %arg7[%swap3A_382], %broadcast_in_dim3A_3 {strides = array<i32>} : memref<16384xf32, #tpu.memory_space<vmem>>, vector<16xf32>,
      %mul3A_384 = arith.constant 64 : i32
      %mul3A_385 = arith.muli %mul3A_34, %mul3A_384 : i32
      %add3A_386 = arith.constant 848 : i32
      %add3A_387 = arith.addi %mul3A_385, %add3A_386 : i32
      %swap3A_388 = arith.index_cast %add3A_387 : i32 to index
      %swap3A_389 = tpu.vector_load %arg7[%swap3A_388] {strides = array<i32>} : memref<16384xf32, #tpu.memory_space<vmem>>, vector<16xf32>,
      tpu.vector_store %arg7[%swap3A_388], %broadcast_in_dim3A_3 {strides = array<i32>} : memref<16384xf32, #tpu.memory_space<vmem>>, vector<16xf32>,
      %mul3A_390 = arith.constant 64 : i32
      %mul3A_391 = arith.muli %mul3A_34, %mul3A_390 : i32
      %add3A_392 = arith.constant 864 : i32
      %add3A_393 = arith.addi %mul3A_391, %add3A_392 : i32
      %swap3A_394 = arith.index_cast %add3A_393 : i32 to index
      %swap3A_395 = tpu.vector_load %arg7[%swap3A_394] {strides = array<i32>} : memref<16384xf32, #tpu.memory_space<vmem>>, vector<16xf32>,
      tpu.vector_store %arg7[%swap3A_394], %broadcast_in_dim3A_3 {strides = array<i32>} : memref<16384xf32, #tpu.memory_space<vmem>>, vector<16xf32>,
      %mul3A_396 = arith.constant 64 : i32
      %mul3A_397 = arith.muli %mul3A_34, %mul3A_396 : i32
      %add3A_398 = arith.constant 880 : i32
      %add3A_399 = arith.addi %mul3A_397, %add3A_398 : i32
      %swap3A_400 = arith.index_cast %add3A_399 : i32 to index
      %swap3A_401 = tpu.vector_load %arg7[%swap3A_400] {strides = array<i32>} : memref<16384xf32, #tpu.memory_space<vmem>>, vector<16xf32>,
      tpu.vector_store %arg7[%swap3A_400], %broadcast_in_dim3A_3 {strides = array<i32>} : memref<16384xf32, #tpu.memory_space<vmem>>, vector<16xf32>,
      %mul3A_402 = arith.constant 64 : i32
      %mul3A_403 = arith.muli %mul3A_34, %mul3A_402 : i32
      %add3A_404 = arith.constant 896 : i32
      %add3A_405 = arith.addi %mul3A_403, %add3A_404 : i32
      %swap3A_406 = arith.index_cast %add3A_405 : i32 to index
      %swap3A_407 = tpu.vector_load %arg7[%swap3A_406] {strides = array<i32>} : memref<16384xf32, #tpu.memory_space<vmem>>, vector<16xf32>,
      tpu.vector_store %arg7[%swap3A_406], %broadcast_in_dim3A_3 {strides = array<i32>} : memref<16384xf32, #tpu.memory_space<vmem>>, vector<16xf32>,
      %mul3A_408 = arith.constant 64 : i32
      %mul3A_409 = arith.muli %mul3A_34, %mul3A_408 : i32
      %add3A_410 = arith.constant 912 : i32
      %add3A_411 = arith.addi %mul3A_409, %add3A_410 : i32
      %swap3A_412 = arith.index_cast %add3A_411 : i32 to index
      %swap3A_413 = tpu.vector_load %arg7[%swap3A_412] {strides = array<i32>} : memref<16384xf32, #tpu.memory_space<vmem>>, vector<16xf32>,
      tpu.vector_store %arg7[%swap3A_412], %broadcast_in_dim3A_3 {strides = array<i32>} : memref<16384xf32, #tpu.memory_space<vmem>>, vector<16xf32>,
      %mul3A_414 = arith.constant 64 : i32
      %mul3A_415 = arith.muli %mul3A_34, %mul3A_414 : i32
      %add3A_416 = arith.constant 928 : i32
      %add3A_417 = arith.addi %mul3A_415, %add3A_416 : i32
      %swap3A_418 = arith.index_cast %add3A_417 : i32 to index
      %swap3A_419 = tpu.vector_load %arg7[%swap3A_418] {strides = array<i32>} : memref<16384xf32, #tpu.memory_space<vmem>>, vector<16xf32>,
      tpu.vector_store %arg7[%swap3A_418], %broadcast_in_dim3A_3 {strides = array<i32>} : memref<16384xf32, #tpu.memory_space<vmem>>, vector<16xf32>,
      %mul3A_420 = arith.constant 64 : i32
      %mul3A_421 = arith.muli %mul3A_34, %mul3A_420 : i32
      %add3A_422 = arith.constant 944 : i32
      %add3A_423 = arith.addi %mul3A_421, %add3A_422 : i32
      %swap3A_424 = arith.index_cast %add3A_423 : i32 to index
      %swap3A_425 = tpu.vector_load %arg7[%swap3A_424] {strides = array<i32>} : memref<16384xf32, #tpu.memory_space<vmem>>, vector<16xf32>,
      tpu.vector_store %arg7[%swap3A_424], %broadcast_in_dim3A_3 {strides = array<i32>} : memref<16384xf32, #tpu.memory_space<vmem>>, vector<16xf32>,
      %mul3A_426 = arith.constant 64 : i32
      %mul3A_427 = arith.muli %mul3A_34, %mul3A_426 : i32
      %add3A_428 = arith.constant 960 : i32
      %add3A_429 = arith.addi %mul3A_427, %add3A_428 : i32
      %swap3A_430 = arith.index_cast %add3A_429 : i32 to index
      %swap3A_431 = tpu.vector_load %arg7[%swap3A_430] {strides = array<i32>} : memref<16384xf32, #tpu.memory_space<vmem>>, vector<16xf32>,
      tpu.vector_store %arg7[%swap3A_430], %broadcast_in_dim3A_3 {strides = array<i32>} : memref<16384xf32, #tpu.memory_space<vmem>>, vector<16xf32>,
      %mul3A_432 = arith.constant 64 : i32
      %mul3A_433 = arith.muli %mul3A_34, %mul3A_432 : i32
      %add3A_434 = arith.constant 976 : i32
      %add3A_435 = arith.addi %mul3A_433, %add3A_434 : i32
      %swap3A_436 = arith.index_cast %add3A_435 : i32 to index
      %swap3A_437 = tpu.vector_load %arg7[%swap3A_436] {strides = array<i32>} : memref<16384xf32, #tpu.memory_space<vmem>>, vector<16xf32>,
      tpu.vector_store %arg7[%swap3A_436], %broadcast_in_dim3A_3 {strides = array<i32>} : memref<16384xf32, #tpu.memory_space<vmem>>, vector<16xf32>,
      %mul3A_438 = arith.constant 64 : i32
      %mul3A_439 = arith.muli %mul3A_34, %mul3A_438 : i32
      %add3A_440 = arith.constant 992 : i32
      %add3A_441 = arith.addi %mul3A_439, %add3A_440 : i32
      %swap3A_442 = arith.index_cast %add3A_441 : i32 to index
      %swap3A_443 = tpu.vector_load %arg7[%swap3A_442] {strides = array<i32>} : memref<16384xf32, #tpu.memory_space<vmem>>, vector<16xf32>,
      tpu.vector_store %arg7[%swap3A_442], %broadcast_in_dim3A_3 {strides = array<i32>} : memref<16384xf32, #tpu.memory_space<vmem>>, vector<16xf32>,
      %mul3A_444 = arith.constant 64 : i32
      %mul3A_445 = arith.muli %mul3A_34, %mul3A_444 : i32
      %add3A_446 = arith.constant 1008 : i32
      %add3A_447 = arith.addi %mul3A_445, %add3A_446 : i32
      %swap3A_448 = arith.index_cast %add3A_447 : i32 to index
      %swap3A_449 = tpu.vector_load %arg7[%swap3A_448] {strides = array<i32>} : memref<16384xf32, #tpu.memory_space<vmem>>, vector<16xf32>,
      tpu.vector_store %arg7[%swap3A_448], %broadcast_in_dim3A_3 {strides = array<i32>} : memref<16384xf32, #tpu.memory_space<vmem>>, vector<16xf32>,
      %add3A_450 = vector.broadcast %mul3A_34 : i32 to vector<16xi32>
      %add3A_451 = arith.addi %add3A_450, %iota3A : vector<16xi32>
      %mul3A_452 = arith.constant 64 : i32
      %mul3A_453 = vector.broadcast %mul3A_452 : i32 to vector<16xi32>
      %mul3A_454 = arith.muli %add3A_451, %mul3A_453 : vector<16xi32>
      %add3A_455 = arith.addi %mul3A_454, %scan3A_41#8 : vector<16xi32>
      %mul3A_456 = arith.mulf %exp3A, %div3A_65 : vector<16xf32>
      tpu.vector_store_idx %arg7[%add3A_455], %mul3A_456 : memref<16384xf32, #tpu.memory_space<vmem>>[vector<16xi32>], vector<16xf32>,
      %mul3A_457 = arith.constant 8 : i32
      %mul3A_458 = vector.broadcast %mul3A_457 : i32 to vector<16xi32>
      %mul3A_459 = arith.muli %add3A_451, %mul3A_458 : vector<16xi32>
      %add3A_460 = arith.constant 0 : i32
      %add3A_461 = vector.broadcast %add3A_460 : i32 to vector<16xi32>
      %add3A_462 = arith.addi %mul3A_459, %add3A_461 : vector<16xi32>
      tpu.vector_store_idx %arg8[%add3A_462], %scan3A_41#8 : memref<2048xi32, #tpu.memory_space<vmem>>[vector<16xi32>], vector<16xi32>,
      tpu.vector_store_idx %arg9[%scan3A_41#8], %broadcast_in_dim3A_5 {add = true} : memref<64xi32, #tpu.memory_space<vmem>>[vector<16xi32>], vector<16xi32>,
      %mul3A_463 = arith.constant 64 : i32
      %mul3A_464 = vector.broadcast %mul3A_463 : i32 to vector<16xi32>
      %mul3A_465 = arith.muli %add3A_451, %mul3A_464 : vector<16xi32>
      %add3A_466 = arith.addi %mul3A_465, %scan3A_41#9 : vector<16xi32>
      %mul3A_467 = arith.mulf %exp3A_44, %div3A_65 : vector<16xf32>
      tpu.vector_store_idx %arg7[%add3A_466], %mul3A_467 : memref<16384xf32, #tpu.memory_space<vmem>>[vector<16xi32>], vector<16xf32>,
      %mul3A_468 = arith.constant 8 : i32
      %mul3A_469 = vector.broadcast %mul3A_468 : i32 to vector<16xi32>
      %mul3A_470 = arith.muli %add3A_451, %mul3A_469 : vector<16xi32>
      %add3A_471 = arith.constant 1 : i32
      %add3A_472 = vector.broadcast %add3A_471 : i32 to vector<16xi32>
      %add3A_473 = arith.addi %mul3A_470, %add3A_472 : vector<16xi32>
      tpu.vector_store_idx %arg8[%add3A_473], %scan3A_41#9 : memref<2048xi32, #tpu.memory_space<vmem>>[vector<16xi32>], vector<16xi32>,
      tpu.vector_store_idx %arg9[%scan3A_41#9], %broadcast_in_dim3A_5 {add = true} : memref<64xi32, #tpu.memory_space<vmem>>[vector<16xi32>], vector<16xi32>,
      %mul3A_474 = arith.constant 64 : i32
      %mul3A_475 = vector.broadcast %mul3A_474 : i32 to vector<16xi32>
      %mul3A_476 = arith.muli %add3A_451, %mul3A_475 : vector<16xi32>
      %add3A_477 = arith.addi %mul3A_476, %scan3A_41#10 : vector<16xi32>
      %mul3A_478 = arith.mulf %exp3A_46, %div3A_65 : vector<16xf32>
      tpu.vector_store_idx %arg7[%add3A_477], %mul3A_478 : memref<16384xf32, #tpu.memory_space<vmem>>[vector<16xi32>], vector<16xf32>,
      %mul3A_479 = arith.constant 8 : i32
      %mul3A_480 = vector.broadcast %mul3A_479 : i32 to vector<16xi32>
      %mul3A_481 = arith.muli %add3A_451, %mul3A_480 : vector<16xi32>
      %add3A_482 = arith.constant 2 : i32
      %add3A_483 = vector.broadcast %add3A_482 : i32 to vector<16xi32>
      %add3A_484 = arith.addi %mul3A_481, %add3A_483 : vector<16xi32>
      tpu.vector_store_idx %arg8[%add3A_484], %scan3A_41#10 : memref<2048xi32, #tpu.memory_space<vmem>>[vector<16xi32>], vector<16xi32>,
      tpu.vector_store_idx %arg9[%scan3A_41#10], %broadcast_in_dim3A_5 {add = true} : memref<64xi32, #tpu.memory_space<vmem>>[vector<16xi32>], vector<16xi32>,
      %mul3A_485 = arith.constant 64 : i32
      %mul3A_486 = vector.broadcast %mul3A_485 : i32 to vector<16xi32>
      %mul3A_487 = arith.muli %add3A_451, %mul3A_486 : vector<16xi32>
      %add3A_488 = arith.addi %mul3A_487, %scan3A_41#11 : vector<16xi32>
      %mul3A_489 = arith.mulf %exp3A_48, %div3A_65 : vector<16xf32>
      tpu.vector_store_idx %arg7[%add3A_488], %mul3A_489 : memref<16384xf32, #tpu.memory_space<vmem>>[vector<16xi32>], vector<16xf32>,
      %mul3A_490 = arith.constant 8 : i32
      %mul3A_491 = vector.broadcast %mul3A_490 : i32 to vector<16xi32>
      %mul3A_492 = arith.muli %add3A_451, %mul3A_491 : vector<16xi32>
      %add3A_493 = arith.constant 3 : i32
      %add3A_494 = vector.broadcast %add3A_493 : i32 to vector<16xi32>
      %add3A_495 = arith.addi %mul3A_492, %add3A_494 : vector<16xi32>
      tpu.vector_store_idx %arg8[%add3A_495], %scan3A_41#11 : memref<2048xi32, #tpu.memory_space<vmem>>[vector<16xi32>], vector<16xi32>,
      tpu.vector_store_idx %arg9[%scan3A_41#11], %broadcast_in_dim3A_5 {add = true} : memref<64xi32, #tpu.memory_space<vmem>>[vector<16xi32>], vector<16xi32>,
      %mul3A_496 = arith.constant 64 : i32
      %mul3A_497 = vector.broadcast %mul3A_496 : i32 to vector<16xi32>
      %mul3A_498 = arith.muli %add3A_451, %mul3A_497 : vector<16xi32>
      %add3A_499 = arith.addi %mul3A_498, %scan3A_41#12 : vector<16xi32>
      %mul3A_500 = arith.mulf %exp3A_50, %div3A_65 : vector<16xf32>
      tpu.vector_store_idx %arg7[%add3A_499], %mul3A_500 : memref<16384xf32, #tpu.memory_space<vmem>>[vector<16xi32>], vector<16xf32>,
      %mul3A_501 = arith.constant 8 : i32
      %mul3A_502 = vector.broadcast %mul3A_501 : i32 to vector<16xi32>
      %mul3A_503 = arith.muli %add3A_451, %mul3A_502 : vector<16xi32>
      %add3A_504 = arith.constant 4 : i32
      %add3A_505 = vector.broadcast %add3A_504 : i32 to vector<16xi32>
      %add3A_506 = arith.addi %mul3A_503, %add3A_505 : vector<16xi32>
      tpu.vector_store_idx %arg8[%add3A_506], %scan3A_41#12 : memref<2048xi32, #tpu.memory_space<vmem>>[vector<16xi32>], vector<16xi32>,
      tpu.vector_store_idx %arg9[%scan3A_41#12], %broadcast_in_dim3A_5 {add = true} : memref<64xi32, #tpu.memory_space<vmem>>[vector<16xi32>], vector<16xi32>,
      %mul3A_507 = arith.constant 64 : i32
      %mul3A_508 = vector.broadcast %mul3A_507 : i32 to vector<16xi32>
      %mul3A_509 = arith.muli %add3A_451, %mul3A_508 : vector<16xi32>
      %add3A_510 = arith.addi %mul3A_509, %scan3A_41#13 : vector<16xi32>
      %mul3A_511 = arith.mulf %exp3A_52, %div3A_65 : vector<16xf32>
      tpu.vector_store_idx %arg7[%add3A_510], %mul3A_511 : memref<16384xf32, #tpu.memory_space<vmem>>[vector<16xi32>], vector<16xf32>,
      %mul3A_512 = arith.constant 8 : i32
      %mul3A_513 = vector.broadcast %mul3A_512 : i32 to vector<16xi32>
      %mul3A_514 = arith.muli %add3A_451, %mul3A_513 : vector<16xi32>
      %add3A_515 = arith.constant 5 : i32
      %add3A_516 = vector.broadcast %add3A_515 : i32 to vector<16xi32>
      %add3A_517 = arith.addi %mul3A_514, %add3A_516 : vector<16xi32>
      tpu.vector_store_idx %arg8[%add3A_517], %scan3A_41#13 : memref<2048xi32, #tpu.memory_space<vmem>>[vector<16xi32>], vector<16xi32>,
      tpu.vector_store_idx %arg9[%scan3A_41#13], %broadcast_in_dim3A_5 {add = true} : memref<64xi32, #tpu.memory_space<vmem>>[vector<16xi32>], vector<16xi32>,
      %mul3A_518 = arith.constant 64 : i32
      %mul3A_519 = vector.broadcast %mul3A_518 : i32 to vector<16xi32>
      %mul3A_520 = arith.muli %add3A_451, %mul3A_519 : vector<16xi32>
      %add3A_521 = arith.addi %mul3A_520, %scan3A_41#14 : vector<16xi32>
      %mul3A_522 = arith.mulf %exp3A_54, %div3A_65 : vector<16xf32>
      tpu.vector_store_idx %arg7[%add3A_521], %mul3A_522 : memref<16384xf32, #tpu.memory_space<vmem>>[vector<16xi32>], vector<16xf32>,
      %mul3A_523 = arith.constant 8 : i32
      %mul3A_524 = vector.broadcast %mul3A_523 : i32 to vector<16xi32>
      %mul3A_525 = arith.muli %add3A_451, %mul3A_524 : vector<16xi32>
      %add3A_526 = arith.constant 6 : i32
      %add3A_527 = vector.broadcast %add3A_526 : i32 to vector<16xi32>
      %add3A_528 = arith.addi %mul3A_525, %add3A_527 : vector<16xi32>
      tpu.vector_store_idx %arg8[%add3A_528], %scan3A_41#14 : memref<2048xi32, #tpu.memory_space<vmem>>[vector<16xi32>], vector<16xi32>,
      tpu.vector_store_idx %arg9[%scan3A_41#14], %broadcast_in_dim3A_5 {add = true} : memref<64xi32, #tpu.memory_space<vmem>>[vector<16xi32>], vector<16xi32>,
      %mul3A_529 = arith.constant 64 : i32
      %mul3A_530 = vector.broadcast %mul3A_529 : i32 to vector<16xi32>
      %mul3A_531 = arith.muli %add3A_451, %mul3A_530 : vector<16xi32>
      %add3A_532 = arith.addi %mul3A_531, %scan3A_41#15 : vector<16xi32>
      %mul3A_533 = arith.mulf %exp3A_56, %div3A_65 : vector<16xf32>
      tpu.vector_store_idx %arg7[%add3A_532], %mul3A_533 : memref<16384xf32, #tpu.memory_space<vmem>>[vector<16xi32>], vector<16xf32>,
      %mul3A_534 = arith.constant 8 : i32
      %mul3A_535 = vector.broadcast %mul3A_534 : i32 to vector<16xi32>
      %mul3A_536 = arith.muli %add3A_451, %mul3A_535 : vector<16xi32>
      %add3A_537 = arith.constant 7 : i32
      %add3A_538 = vector.broadcast %add3A_537 : i32 to vector<16xi32>
      %add3A_539 = arith.addi %mul3A_536, %add3A_538 : vector<16xi32>
      tpu.vector_store_idx %arg8[%add3A_539], %scan3A_41#15 : memref<2048xi32, #tpu.memory_space<vmem>>[vector<16xi32>], vector<16xi32>,
      tpu.vector_store_idx %arg9[%scan3A_41#15], %broadcast_in_dim3A_5 {add = true} : memref<64xi32, #tpu.memory_space<vmem>>[vector<16xi32>], vector<16xi32>,
    }
    %scan3A_27 = arith.constant 16 : i32
    %mul3A_28 = arith.constant 64 : i32
    %mul3A_29 = arith.muli %mul3A_2, %mul3A_28 : i32
    "tpu.region"() ({
      %run_scoped3A = tpu.sem_alloc : memref<!tpu.dma_semaphore, #tpu.memory_space<semaphore_mem>>
      %dma_start3A = tpu.memref_slice %arg3[%mul3A_29] : memref<524288xf32, #tpu.memory_space<hbm>> -> memref<16384xf32, #tpu.memory_space<hbm>>
      %dma_start3A_32 = tpu.memref_slice %arg3[%mul3A_29] : memref<524288xf32, #tpu.memory_space<hbm>> -> memref<16384xf32, #tpu.memory_space<hbm>>
      tpu.enqueue_dma source(%arg7 : memref<16384xf32, #tpu.memory_space<vmem>>) target(%dma_start3A_32 : memref<16384xf32, #tpu.memory_space<hbm>>) target_semaphore(%run_scoped3A : memref<!tpu.dma_semaphore, #tpu.memory_space<semaphore_mem>>)
      %dma_wait3A = tpu.memref_slice %arg3[%mul3A_29] : memref<524288xf32, #tpu.memory_space<hbm>> -> memref<16384xf32, #tpu.memory_space<hbm>>
      %dma_wait3A_33 = tpu.memref_slice %arg3[%mul3A_29] : memref<524288xf32, #tpu.memory_space<hbm>> -> memref<16384xf32, #tpu.memory_space<hbm>>
      tpu.wait_dma2 semaphore(%run_scoped3A : memref<!tpu.dma_semaphore, #tpu.memory_space<semaphore_mem>>) src(%arg7 : memref<16384xf32, #tpu.memory_space<vmem>>) dst(%dma_wait3A_33 : memref<16384xf32, #tpu.memory_space<hbm>>)
      tpu.yield
    }) : () -> ()
    %mul3A_30 = arith.constant 8 : i32
    %mul3A_31 = arith.muli %mul3A_2, %mul3A_30 : i32
    "tpu.region"() ({
      %run_scoped3A = tpu.sem_alloc : memref<!tpu.dma_semaphore, #tpu.memory_space<semaphore_mem>>
      %dma_start3A = tpu.memref_slice %arg4[%mul3A_31] : memref<65536xi32, #tpu.memory_space<hbm>> -> memref<2048xi32, #tpu.memory_space<hbm>>
      %dma_start3A_32 = tpu.memref_slice %arg4[%mul3A_31] : memref<65536xi32, #tpu.memory_space<hbm>> -> memref<2048xi32, #tpu.memory_space<hbm>>
      tpu.enqueue_dma source(%arg8 : memref<2048xi32, #tpu.memory_space<vmem>>) target(%dma_start3A_32 : memref<2048xi32, #tpu.memory_space<hbm>>) target_semaphore(%run_scoped3A : memref<!tpu.dma_semaphore, #tpu.memory_space<semaphore_mem>>)
      %dma_wait3A = tpu.memref_slice %arg4[%mul3A_31] : memref<65536xi32, #tpu.memory_space<hbm>> -> memref<2048xi32, #tpu.memory_space<hbm>>
      %dma_wait3A_33 = tpu.memref_slice %arg4[%mul3A_31] : memref<65536xi32, #tpu.memory_space<hbm>> -> memref<2048xi32, #tpu.memory_space<hbm>>
      tpu.wait_dma2 semaphore(%run_scoped3A : memref<!tpu.dma_semaphore, #tpu.memory_space<semaphore_mem>>) src(%arg8 : memref<2048xi32, #tpu.memory_space<vmem>>) dst(%dma_wait3A_33 : memref<2048xi32, #tpu.memory_space<hbm>>)
      tpu.yield
    }) : () -> ()
    "tpu.region"() ({
      %run_scoped3A = tpu.sem_alloc : memref<!tpu.dma_semaphore, #tpu.memory_space<semaphore_mem>>
      %dma_start3A = arith.constant 0 : i32
      %dma_start3A_32 = tpu.memref_slice %arg5[%add3A, %dma_start3A] : memref<32x64xi32, #tpu.memory_space<hbm>> -> memref<1x64xi32, #tpu.memory_space<hbm>>
      %dma_start3A_33 = tpu.memref_squeeze %dma_start3A_32 : memref<1x64xi32, #tpu.memory_space<hbm>> -> memref<64xi32, #tpu.memory_space<hbm>>
      %dma_start3A_34 = arith.constant 0 : i32
      %dma_start3A_35 = tpu.memref_slice %arg5[%add3A, %dma_start3A_34] : memref<32x64xi32, #tpu.memory_space<hbm>> -> memref<1x64xi32, #tpu.memory_space<hbm>>
      %dma_start3A_36 = tpu.memref_squeeze %dma_start3A_35 : memref<1x64xi32, #tpu.memory_space<hbm>> -> memref<64xi32, #tpu.memory_space<hbm>>
      tpu.enqueue_dma source(%arg9 : memref<64xi32, #tpu.memory_space<vmem>>) target(%dma_start3A_36 : memref<64xi32, #tpu.memory_space<hbm>>) target_semaphore(%run_scoped3A : memref<!tpu.dma_semaphore, #tpu.memory_space<semaphore_mem>>)
      %dma_wait3A = arith.constant 0 : i32
      %dma_wait3A_37 = tpu.memref_slice %arg5[%add3A, %dma_wait3A] : memref<32x64xi32, #tpu.memory_space<hbm>> -> memref<1x64xi32, #tpu.memory_space<hbm>>
      %dma_wait3A_38 = tpu.memref_squeeze %dma_wait3A_37 : memref<1x64xi32, #tpu.memory_space<hbm>> -> memref<64xi32, #tpu.memory_space<hbm>>
      %dma_wait3A_39 = arith.constant 0 : i32
      %dma_wait3A_40 = tpu.memref_slice %arg5[%add3A, %dma_wait3A_39] : memref<32x64xi32, #tpu.memory_space<hbm>> -> memref<1x64xi32, #tpu.memory_space<hbm>>
      %dma_wait3A_41 = tpu.memref_squeeze %dma_wait3A_40 : memref<1x64xi32, #tpu.memory_space<hbm>> -> memref<64xi32, #tpu.memory_space<hbm>>
      tpu.wait_dma2 semaphore(%run_scoped3A : memref<!tpu.dma_semaphore, #tpu.memory_space<semaphore_mem>>) src(%arg9 : memref<64xi32, #tpu.memory_space<vmem>>) dst(%dma_wait3A_41 : memref<64xi32, #tpu.memory_space<hbm>>)
      tpu.yield
    }) : () -> ()
    return
  }
}

module attributes {stable_mosaic.version = 14 : i64} {
  func.func @_cnt_body(%arg0: memref<32x64xi32, #tpu.memory_space<vmem>>, %arg1: memref<1x64xi32, #tpu.memory_space<vmem>>) attributes {dimension_semantics = [], scalar_prefetch = 0 : i64, scratch_operands = 0 : i64, tpu.core_type = #tpu.core_type<tc>} {
    %get3A = arith.constant 0 : index
    %get3A_0 = arith.constant 0 : index
    %get3A_1 = vector.load %arg0[%get3A, %get3A_0] : memref<32x64xi32, #tpu.memory_space<vmem>>, vector<32x64xi32>
    %reduce_sum3A = arith.constant dense<0> : vector<64xi32>
    %reduce_sum3A_2 = vector.multi_reduction <add>, %get3A_1, %reduce_sum3A [0] : vector<32x64xi32> to vector<64xi32>
    %broadcast_in_dim3A = vector.shape_cast %reduce_sum3A_2 : vector<64xi32> to vector<1x64xi32>
    %swap3A = arith.constant 0 : index
    %swap3A_3 = arith.constant 0 : index
    %swap3A_4 = vector.load %arg1[%swap3A, %swap3A_3] : memref<1x64xi32, #tpu.memory_space<vmem>>, vector<1x64xi32>
    tpu.vector_store %arg1[%swap3A, %swap3A_3], %broadcast_in_dim3A {strides = array<i32>} : memref<1x64xi32, #tpu.memory_space<vmem>>, vector<1x64xi32>,
    return
  }
}

module attributes {stable_mosaic.version = 14 : i64} {
  func.func @_mm_body(%arg0: i32, %arg1: memref<1024x2048xf32, #tpu.memory_space<vmem>>, %arg2: memref<64x2048xf32, #tpu.memory_space<vmem>>, %arg3: memref<64x1xf32, #tpu.memory_space<vmem>>, %arg4: memref<64x1024xf32, #tpu.memory_space<vmem>>) attributes {dimension_semantics = [#tpu.dimension_semantics<arbitrary>], iteration_bounds = array<i64: 8>, scalar_prefetch = 0 : i64, scratch_operands = 0 : i64, tpu.core_type = #tpu.core_type<tc>, window_params = [{transform_indices = @transform_0, window_bounds = array<i64: 1024, 2048>}, {pipeline_mode = #tpu.pipeline_mode<synchronous>, transform_indices = @transform_1, window_bounds = array<i64: 64, 2048>}, {pipeline_mode = #tpu.pipeline_mode<synchronous>, transform_indices = @transform_2, window_bounds = array<i64: 64, 1>}, {transform_indices = @transform_3, window_bounds = array<i64: 64, 1024>}]} {
    %get3A = arith.constant 0 : index
    %get3A_0 = arith.constant 0 : index
    %get3A_1 = vector.load %arg2[%get3A, %get3A_0] : memref<64x2048xf32, #tpu.memory_space<vmem>>, vector<64x2048xf32>
    %get3A_2 = arith.constant 0 : index
    %get3A_3 = arith.constant 0 : index
    %get3A_4 = vector.load %arg1[%get3A_2, %get3A_3] : memref<1024x2048xf32, #tpu.memory_space<vmem>>, vector<1024x2048xf32>
    %dot_general3A = arith.constant dense<0.000000e+00> : vector<64x1024xf32>
    %dot_general3A_5 = tpu.matmul %get3A_1, %get3A_4, %dot_general3A {dimension_numbers = #tpu.dot_dimension_numbers<[1], [1], [0], [0], [0, 0, 1, 0], [], []>, transpose_lhs_hint = false} : vector<64x2048xf32>, vector<1024x2048xf32>, vector<64x1024xf32> -> vector<64x1024xf32>
    %get3A_6 = arith.constant 0 : index
    %get3A_7 = arith.constant 0 : index
    %get3A_8 = vector.load %arg3[%get3A_6, %get3A_7] : memref<64x1xf32, #tpu.memory_space<vmem>>, vector<64x1xf32>
    %add3A = vector.broadcast %get3A_8 : vector<64x1xf32> to vector<64x1024xf32>
    %add3A_9 = arith.addf %dot_general3A_5, %add3A : vector<64x1024xf32>
    %swap3A = arith.constant 0 : index
    %swap3A_10 = arith.constant 0 : index
    %swap3A_11 = vector.load %arg4[%swap3A, %swap3A_10] : memref<64x1024xf32, #tpu.memory_space<vmem>>, vector<64x1024xf32>
    tpu.vector_store %arg4[%swap3A, %swap3A_10], %add3A_9 {strides = array<i32>} : memref<64x1024xf32, #tpu.memory_space<vmem>>, vector<64x1024xf32>,
    return
  }
  func.func @transform_0(%arg0: i32) -> (i32, i32) {
    %c0_i32 = arith.constant 0 : i32
    %c0_i32_0 = arith.constant 0 : i32
    return %arg0, %c0_i32 : i32, i32
  }
  func.func @transform_1(%arg0: i32) -> (i32, i32) {
    %c0_i32 = arith.constant 0 : i32
    %c0_i32_0 = arith.constant 0 : i32
    %c0_i32_1 = arith.constant 0 : i32
    return %c0_i32, %c0_i32_0 : i32, i32
  }
  func.func @transform_2(%arg0: i32) -> (i32, i32) {
    %c0_i32 = arith.constant 0 : i32
    %c0_i32_0 = arith.constant 0 : i32
    %c0_i32_1 = arith.constant 0 : i32
    return %c0_i32, %c0_i32_0 : i32, i32
  }
  func.func @transform_3(%arg0: i32) -> (i32, i32) {
    %c0_i32 = arith.constant 0 : i32
    %c0_i32_0 = arith.constant 0 : i32
    return %c0_i32, %arg0 : i32, i32
  }
}

</mosaic_0001>

<sc_bundles>
// kernel: kernel.5.cloned.1.call-start
scs
__scs_entry_jumppad:
0x0: {  	(pc) =	sbr.rel $0x88, $3  }
0x1: {  	(tag) =	ssettag $0x0;
	lr =	simm.s32 $0x1  }
0x2: {  	[smem:$0x3F9E] =	sst lr;
	_ =	strace $0xD0000000  }
0x3: {  	_ = 	snop  }
0x4: {  	_ = 	snop  }
0x5: {  	_ = 	snop  }
0x6: {  	_ = 	snop  }
0x7: {  	_ = 	snop  }
__scs_overlays_trampoline_lowered:
0x8: {  	[smem:$0x3FAD] =	sst s0  }
0x9: {  	[smem:$0x3FAE] =	sst s1  }
0xa: {  	[smem:$0x3FAF] =	sst s2  }
0xb: {  	[smem:$0x3FB0] =	sst s3  }
0xc: {  	[smem:$0x3FB1] =	sst s4  }
0xd: {  	[smem:$0x3FB2] =	sst s5  }
0xe: {  	[smem:$0x3FB3] =	sst s6  }
0xf: {  	[smem:$0x3FB4] =	sst s7  }
0x10: {  	[smem:$0x3FB5] =	sst s8  }
0x11: {  	[smem:$0x3FB6] =	sst s9;
	s0 =	simm.s32 @!p0 $0x0  }
0x12: {  	s1 =	sld [smem:$0x3F9C];
	s0 =	simm.s32 @p0 $0x1  }
0x13: {  	[smem:$0x3FB7] =	sst s0;
	s0 =	simm.s32 @!p1 $0x0  }
0x14: {  	s2 =	sld [smem:$0x3F9B];
	s0 =	simm.s32 @p1 $0x1  }
0x15: {  	[smem:$0x3FB8] =	sst s0;
	s0 =	simm.s32 @!p2 $0x0  }
0x16: {  	s3 =	sld [smem:$0x3FDB];
	s0 =	simm.s32 @p2 $0x1  }
0x17: {  	s4 =	simm.s32 $0x1BF5;
	[smem:$0x3FBA] =	sst s0  }
0x18: {  	s0 =	sld [smem:$0x3F9D];
	_ =	swait.ge [sflag:s4], $0x0  }
0x19: {  	s7 =	sld [smem:$0x3F9E]  }
0x1a: {  	s8 =	sadd.s32 $0xFFFFE003, lr  }
0x1b: {  	s9 =	sadd.s32 $0xFFFFFEF7, lr;
	s5 =	simm.s32 $0xFFFFFFFF;
	p2 =	slt.u32 s8, $0xFFFFF086  }
0x1c: {  	p1 =	slt.u32 s9, $0xF7A;
	s5 =	simm.s32 @!p2 $0x0  }
0x1d: {  	s5 =	simm.s32 @p1 $0x1;
	p0 =	seq.s32 s7, s2  }
0x1e: {  	s7 =	smul.u32 @!p0 $0xF7A, s2;
	p2 =	seq.s32 @!p0 s5, $0x0  }
0x1f: {  	s9 =	smul.u32 $0xF7A, s1;
	s8 =	simm.s32 @!p0 $0x1BF5;
	p2 =	por !p2, p0  }
0x20: {  	[sflag:s8] =	ssyncset.s32 @!p0 $0xFFFFF086;
	s6 =	sadd.s32 @!p0 s3, s7;
	s7 =	simm.s32 @!p0 $0x108  }
0x21: {  	s3 =	sadd.s32 s3, s9;
	s6 =	sadd.s32 @!p0 $0x88, s6;
	s7 =	simm.s32 @p2 $0x1082  }
0x22: {  	[simem:s7], [sflag:s8] =	dma.local @!p0 [hbm:s6], $0xF7A  }
0x23: {  	s9 =	sor.u32 $0xD0000000, s2;
	s6 =	simm.s32 $0x108;
	_ =	swait.ge @!p0 [sflag:s8], $0x0  }
0x24: {  	s3 =	sadd.s32 $0x88, s3;
	s6 =	simm.s32 @!p1 $0x1082;
	[sflag:s4] =	ssyncset.s32 $0xFFFFF086  }
0x25: {  	[simem:s6], [sflag:s4] =	dma.local [hbm:s3], $0xF7A  }
0x26: {  	[smem:$0x3F9E] =	sst s1;
	(tag) =	ssettag s2;
	_ =	strace s9  }
0x27: {  	s1 =	sld [smem:$0x3FAE]  }
0x28: {  	s2 =	sld [smem:$0x3FAF]  }
0x29: {  	s4 =	sld [smem:$0x3FB1]  }
0x2a: {  	p0 =	seq.s32 s5, $0x0;
	s5 =	sld [smem:$0x3FB2]  }
0x2b: {  	s6 =	sld [smem:$0x3FB3]  }
0x2c: {  	s7 =	sld [smem:$0x3FB4]  }
0x2d: {  	s3 =	simm.s32 $0x108;
	s8 =	sld [smem:$0x3FB5]  }
0x2e: {  	s3 =	simm.s32 @!p0 $0x1082;
	s9 =	sld [smem:$0x3FB6]  }
0x2f: {  	lr =	sadd.s32 s0, s3;
	s0 =	sld [smem:$0x3FAD]  }
0x30: {  	s3 =	sld [smem:$0x3FB0]  }
0x31: {  	[smem:$0x3FB9] =	sst s10  }
0x32: {  	s10 =	sld [smem:$0x3FB7];
	_ =	sdelay $0x3  }
0x33: {  	p0 =	seq.s32 s10, $0x1;
	s10 =	sld [smem:$0x3FB9];
	_ =	sdelay $0x3  }
0x34: {  	[smem:$0x3FB9] =	sst s10  }
0x35: {  	s10 =	sld [smem:$0x3FB8];
	_ =	sdelay $0x3  }
0x36: {  	p1 =	seq.s32 s10, $0x1;
	s10 =	sld [smem:$0x3FB9];
	_ =	sdelay $0x3  }
0x37: {  	[smem:$0x3FB9] =	sst s10  }
0x38: {  	s10 =	sld [smem:$0x3FBA]  }
0x39: {  	_ = 	snop;
	(pc) =	sbr.ind lr, $3  }
0x3a: {  	_ = 	snop  }
0x3b: {  	_ = 	snop  }
0x3c: {  	p2 =	seq.s32 s10, $0x1;
	s10 =	sld [smem:$0x3FB9]  }
0x3d: {  	_ =	shalt  }
0x3e: {  	_ =	shalt  }
0x3f: {  	_ =	shalt  }
0x40: {  	_ =	shalt  }
0x41: {  	_ =	shalt  }
0x42: {  	_ =	shalt  }
0x43: {  	_ =	shalt  }
0x44: {  	_ =	shalt  }
0x45: {  	_ =	shalt  }
0x46: {  	_ =	shalt  }
0x47: {  	_ =	shalt  }
0x48: {  	_ =	shalt  }
0x49: {  	_ =	shalt  }
0x4a: {  	_ =	shalt  }
0x4b: {  	_ =	shalt  }
0x4c: {  	_ =	shalt  }
0x4d: {  	_ =	shalt  }
0x4e: {  	_ =	shalt  }
0x4f: {  	_ =	shalt  }
0x50: {  	_ =	shalt  }
0x51: {  	_ =	shalt  }
0x52: {  	_ =	shalt  }
0x53: {  	_ =	shalt  }
0x54: {  	_ =	shalt  }
0x55: {  	_ =	shalt  }
0x56: {  	_ =	shalt  }
0x57: {  	_ =	shalt  }
0x58: {  	_ =	shalt  }
0x59: {  	_ =	shalt  }
0x5a: {  	_ =	shalt  }
0x5b: {  	_ =	shalt  }
0x5c: {  	_ =	shalt  }
0x5d: {  	_ =	shalt  }
0x5e: {  	_ =	shalt  }
0x5f: {  	_ =	shalt  }
0x60: {  	_ =	shalt  }
0x61: {  	_ =	shalt  }
0x62: {  	_ =	shalt  }
0x63: {  	_ =	shalt  }
0x64: {  	_ =	shalt  }
0x65: {  	_ =	shalt  }
0x66: {  	_ =	shalt  }
0x67: {  	_ =	shalt  }
0x68: {  	_ =	shalt  }
0x69: {  	_ =	shalt  }
0x6a: {  	_ =	shalt  }
0x6b: {  	_ =	shalt  }
0x6c: {  	_ =	shalt  }
0x6d: {  	_ =	shalt  }
0x6e: {  	_ =	shalt  }
0x6f: {  	_ =	shalt  }
0x70: {  	_ =	shalt  }
0x71: {  	_ =	shalt  }
0x72: {  	_ =	shalt  }
0x73: {  	_ =	shalt  }
0x74: {  	_ =	shalt  }
0x75: {  	_ =	shalt  }
0x76: {  	_ =	shalt  }
0x77: {  	_ =	shalt  }
0x78: {  	_ =	shalt  }
0x79: {  	_ =	shalt  }
0x7a: {  	_ =	shalt  }
0x7b: {  	_ =	shalt  }
0x7c: {  	_ =	shalt  }
0x7d: {  	_ =	shalt  }
0x7e: {  	_ =	shalt  }
0x7f: {  	_ =	shalt  }
0x80: {  	_ =	shalt  }
0x81: {  	_ =	shalt  }
0x82: {  	_ =	shalt  }
0x83: {  	_ =	shalt  }
0x84: {  	_ =	shalt  }
0x85: {  	_ =	shalt  }
0x86: {  	_ =	shalt  }
0x87: {  	_ =	shalt  }
.Lfunc_end0:
.L_simem_size_0:
called_computation_lowered:
.L_overlay_start_0:
0x88: {  	s2 =	sld [smem:$0x3FD9]  }
0x89: {  	s3 =	sld [smem:$0x3FFE];
	_ =	sdelay $0x1  }
0x8a: {  	s1 =	srdreg.scid  }
0x8b: {  	s0 =	sand.u32 $0x1, s1  }
0x8c: {  	s14 =	sshll.u32 s0, $0xA;
	s2 =	sadd.s32 s3, s2  }
0x8d: {  	s2 =	sadd.s32 s2, s14  }
0x8e: {  	[smem:$0x3FC5] =	sst s2  }
0x8f: {  	_ = 	snop  }
0x90: {  	s2 =	sld [smem:$0x3FD0];
	_ =	sdelay $0x2  }
0x91: {  	s15 =	simm.s32 $0xA;
	s4 =	simm.s32 $0x10  }
0x92: {  	[smem:s4], [sflag:s15] =	dma.local [hbm:s2], $0x1  }
0x93: {  	_ =	swait.eq [sflag:s15], $0x1  }
0x94: {  	[sflag:s15] =	ssyncset.done $0x0  }
0x95: {  	s16 =	sld [smem:$0x10];
	[sflag:s15] =	ssyncadd.s32 $0xFFFFFFFF  }
0x96: {  	s17 =	sld [smem:$0x11];
	(tm) =	ssettm $0x1  }
0x97: {  	s18 =	sld [smem:$0x3FFB];
	_ =	sdelay $0x3  }
0x98: {  	_ =	strace s18  }
0x99: {  	s4 =	sld [smem:$0x3FFC];
	_ =	sdelay $0x3  }
0x9a: {  	_ =	strace s4  }
0x9b: {  	s4 =	sld [smem:$0x3FFD];
	_ =	sdelay $0x3  }
0x9c: {  	_ =	strace s4  }
0x9d: {  	_ =	strace $0x8FFFFFFF  }
0x9e: {  	s19 =	sld [smem:$0x3FDB];
	_ =	sdelay $0x1  }
0x9f: {  	s5 =	simm.s32 $_scs_section_size  }
0xa0: {  	s6 =	simm.s32 $_size__tile_overlayer_lowered;
	s7 =	simm.s32 $_tile_overlayer_lowered  }
0xa1: {  	s22 =	simm.s32 $0x1BFF;
	s21 =	sshll.u32 s7, $0x1;
	s4 =	sadd.s32 s5, s19  }
0xa2: {  	s8 =	simm.s32 $0x0;
	s20 =	sshll.u32 s6, $0x1;
	s6 =	sadd.s32 s21, s4  }
0xa3: {  	[timem:s8], [sflag:s22] =	dma.local [hbm:s6], s20  }
0xa4: {  	_ =	swait.ge [sflag:s22], s20  }
0xa5: {  	s5 =	ssub.s32 $0x0, s20;
	[sflag:s22] =	ssyncset.done $0x0  }
0xa6: {  	[sflag:s22] =	ssyncadd.s32 s5;
	_ =	sdelay $0x1  }
0xa7: {  	s23 =	simm.s32 $0x1B8B  }
0xa8: {  	_ =	swait.ge [sflag:s23], $0x1  }
0xa9: {  	[sflag:s23] =	ssyncset.done $0x0  }
0xaa: {  	s25 =	simm.s32 $0x1B8E;
	s24 =	sld [smem:$0x3FFE];
	[sflag:s23] =	ssyncadd.s32 $0xFFFFFFFF  }
0xab: {  	s26 =	simm.s32 $execute0_lowered;
	[smem:$0x3FD2] =	sst s25  }
0xac: {  	s6 =	sshll.u32 s26, $0x1;
	_ =	strace $0x80000046;
	[dreg:$0x1] =	wrdreg $0xFFFFFFFF  }
0xad: {  	s28 =	simm.s32 $_size_execute0_lowered;
	s4 =	sadd.s32 s4, s6;
	[dreg:$0x0] =	wrdreg $0x0  }
0xae: {  	s6 =	sshll.u32 s28, $0x1;
	[dreg:$0x2] =	wrdreg s4  }
0xaf: {  	[dreg:$0x3] =	wrdreg s6  }
0xb0: {  	[dreg:$0x4] =	wrdreg $0xC0  }
0xb1: {  	_ =	task [dreg:s8], $0x5FFFF  }
0xb2: {  	[dreg:$0x1] =	wrdreg $0xFFFFFFFF  }
0xb3: {  	[dreg:$0x0] =	wrdreg $0x60  }
0xb4: {  	[dreg:$0x2] =	wrdreg s16  }
0xb5: {  	[dreg:$0x3] =	wrdreg s24  }
0xb6: {  	[dreg:$0x4] =	wrdreg s17  }
0xb7: {  	[dreg:$0x5] =	wrdreg $0x9  }
0xb8: {  	_ =	task.clear_ibuf [dreg:s8], $0x6FFFF;
	_ =	strace $0x90000046  }
0xb9: {  	s29 =	simm.s32 $0x9;
	_ =	strace $0x80000048  }
0xba: {  	_ =	swait.ge [sflag:s29], $0x1  }
0xbb: {  	[sflag:s29] =	ssyncadd.s32 $0xFFFFFFFF  }
0xbc: {  	_ =	strace $0x90000048  }
0xbd: {  	_ =	sfence  }
0xbe: {  	s30 =	sld [smem:$0x0];
	_ =	sdelay $0x2  }
0xbf: {  	s31 =	sshll.u32 s1, $0xD;
	s1 =	sshrl.u32 s1, $0x2  }
0xc0: {  	s3 =	sand.u32 $0x4000, s31;
	s1 =	sadd.s32 s1, s30  }
0xc1: {  	s0 =	sor.u32 s3, s0;
	s1 =	sshll.u32 s1, $0x11  }
0xc2: {  	s0 =	sor.u32 s1, s0  }
0xc3: {  	s0 =	sadd.s32 $0x8F2B, s0  }
0xc4: {  	[sflag:s0] =	ssyncadd.remote.s32 $0x1  }
0xc5: {  	_ =	sfence.sel $0xFFFF  }
0xc6: {  	[dreg:$0x0] =	wrdreg $0xFFFFFFFF;
	(pc) =	sbr.abs _section_cstart, $3  }
0xc7: {  	[dreg:$0x1] =	wrdreg $0xFFFFFFFF  }
0xc8: {  	_ =	task.clear_ibuf [dreg:s8], $0x2FFFF;
	_ =	strace $0x9FFFFFFF  }
0xc9: {  	(tm) =	ssettm $0x7FFFFFFF  }
tec
execute0_lowered:
.L_overlay_start_1:
0x0: {  	(tag) =	ssettag $0x1  }
0x1: {  	s3 =	rddreg [dreg:$0x0]  }
0x2: {  	s4 =	rddreg [dreg:$0x1]  }
0x3: {  	s5 =	rddreg [dreg:$0x2]  }
0x4: {  	s0 =	rddreg [dreg:$0x3];
	s6 =	srdreg.scid  }
0x5: {  	s1 =	stileid.u32;
	s2 =	simm.s32 $0x0;
	s11 =	simm.s32 $0x4000  }
0x6: {  	s12 =	simm.s32 $0x8000;
	s13 =	simm.s32 $0x8800;
	s14 =	simm.s32 $0x0  }
0x7: {  	s6 =	sand.u32 $0x1, s6;
	s7 =	sshll.u32 s1, $0x1;
	[smem:$0x7FF] =	sst s2  }
0x8: {  	s7 =	sor.u32 s6, s7;
	_ =	strace $0x80000047;
	s6 =	ssub.s32 $0x2, s6  }
0x9: {  	s8 =	sshll.u32 s7, $0xB;
	s9 =	sshll.u32 s7, $0x4;
	s10 =	sshrl.u32 s6, $0x1  }
0xa: {  	s31 =	sshll.u32 s7, $0x8;
	s8 =	sadd.s32 s8, s4;
	s9 =	sadd.s32 s9, s4  }
0xb: {  	s10 =	ssub.s32 s6, s10;
	s3 =	sadd.s32 s3, s31;
	s5 =	sadd.s32 s5, s31  }
0xc: {  	v0 =	vimm.s32 $0x0;
	s4 =	sadd.s32 $0x1200, s8;
	s6 =	sadd.s32 $0x1000, s9;
	s7 =	smax.u32 s10, $0x1  }
0xd: {  	v1 =	vimm.f32 $0.0e+00;
	v2 =	vlaneseq.u32;
	v3 =	vimm.s32 $0x1;
	s8 =	simm.s32 $0x800;
	s9 =	simm.s32 $0x10000;
	s10 =	simm.s32 $0x1  }
.LBB2_1:
0xe: {  	[tilespmem:s2], [sflag:$0x1] =	stream.strided.gather [hbm4b:s3+s8], $0x4000, s9, s8, $0x38;
	[tilespmem:$0x8880] =	vst v63  }
0xf: {  	_ =	swait.ge [sflag:s10], $0x4000  }
0x10: {  	[sflag:s10] =	ssyncset.done $0x0  }
0x11: {  	[sflag:s10] =	ssyncadd.s32 $0xFFFFC000  }
0x12: {  	[tilespmem:$0x8800] =	vst v0  }
0x13: {  	[tilespmem:$0x8810] =	vst v0  }
0x14: {  	[tilespmem:$0x8820] =	vst v0  }
0x15: {  	s15 =	simm.s32 $0x0;
	[tilespmem:$0x8830] =	vst v0  }
.LBB2_2:
0x16: {  	s16 =	sshll.u32 s15, $0x4  }
0x17: {  	s17 =	sand.u32 $0x70, s16  }
0x18: {  	v11 =	vmov s17  }
0x19: {  	s23 =	sshll.u32 s15, $0x7;
	s18 =	simm.s32 $0x0  }
0x1a: {  	s19 =	sand.u32 $0x3800, s18;
	s17 =	sand.u32 $0x400, s23  }
0x1b: {  	s20 =	sand.u32 $0x300, s18;
	s19 =	sor.u32 s19, s17  }
0x1c: {  	s20 =	sadd.s32 s20, s19  }
0x1d: {  	s21 =	simm.s32 $0x80;
	v4 =	vld.idx.msk [tilespmem:v11+s20+$0x0 ss:$0x1], $0xffff  }
0x1e: {  	s24 =	sand.u32 $0x380, s21  }
0x1f: {  	s19 =	sadd.s32 s24, s19  }
0x20: {  	v5 =	vld.idx.msk [tilespmem:v11+s19+$0x0 ss:$0x1], $0xffff  }
0x21: {  	v8 =	vimm.f32 $-Inf  }
0x22: {  	vm2 =	vgt.f32 v4, v8  }
0x23: {  	v13 =	vimm.s32 $0x0;
	v6 =	vsel vm2, v4, v8;
	v4 =	vsel vm2, v8, v4  }
0x24: {  	v10 =	vnsel vm2, s18, v13;
	vm3 =	vgt.f32 v4, v8  }
0x25: {  	v15 =	vsel vm2, s18, v13;
	vm1 =	vgt.f32 v5, v6;
	v7 =	vsel vm3, v4, v8  }
0x26: {  	v9 =	vsel vm1, v6, v5;
	v4 =	vsel vm3, v8, v4;
	v12 =	vsel vm3, v10, v13  }
0x27: {  	s25 =	simm.s32 $0x1;
	v16 =	vsel vm1, v5, v6;
	v6 =	vsel vm3, v13, v10;
	vm0 =	vgt.f32 v9, v7  }
0x28: {  	v17 =	vsel vm1, s25, v15;
	vm2 =	vgt.f32 v4, v8;
	v14 =	vsel vm0, v7, v9  }
0x29: {  	v5 =	vsel vm2, v4, v8;
	v9 =	vsel vm0, v9, v7;
	v4 =	vsel vm2, v8, v4  }
0x2a: {  	v7 =	vsel vm2, v13, v6;
	vm3 =	vgt.f32 v14, v5;
	vm5 =	vgt.f32 v4, v8  }
0x2b: {  	v10 =	vsel vm5, v4, v8;
	v18 =	vsel vm3, v5, v14;
	v19 =	vsel vm5, v7, v13  }
0x2c: {  	v14 =	vsel vm3, v14, v5;
	v4 =	vsel vm5, v8, v4;
	vm4 =	vgt.f32 v18, v10  }
0x2d: {  	v5 =	vsel vm5, v13, v7;
	vm6 =	vgt.f32 v4, v8;
	v20 =	vsel vm4, v18, v10  }
0x2e: {  	s26 =	simm.s32 $0x200;
	v7 =	vsel vm4, v10, v18;
	v10 =	vsel vm6, v4, v8;
	v4 =	vsel vm6, v8, v4  }
0x2f: {  	s28 =	sand.u32 $0x3800, s26;
	s19 =	simm.s32 $0x100;
	v18 =	vsel vm6, v13, v5;
	vm5 =	vgt.f32 v4, v8;
	vm7 =	vgt.f32 v7, v10  }
0x30: {  	s20 =	sor.u32 s28, s17;
	s29 =	sand.u32 $0x300, s19;
	v21 =	vsel vm5, v4, v8;
	v24 =	vsel vm5, v8, v4;
	v22 =	vsel vm7, v10, v7  }
0x31: {  	s21 =	sadd.s32 s29, s20;
	v25 =	vsel vm7, v7, v10;
	v4 =	vnsel vm1, s25, v15;
	v7 =	vsel vm6, v5, v13  }
0x32: {  	s22 =	simm.s32 $0x180;
	v10 =	vld.idx.msk [tilespmem:v11+s21+$0x0 ss:$0x1], $0xffff;
	v5 =	vsel vm2, v6, v13;
	vm8 =	vgt.f32 v22, v21;
	v6 =	vsel vm0, v12, v4  }
0x33: {  	s30 =	sand.u32 $0x380, s22;
	v27 =	vsel vm0, v4, v12;
	v12 =	vsel vm5, v18, v13;
	v31 =	vsel vm8, v22, v21  }
0x34: {  	s18 =	sadd.s32 s30, s20;
	v4 =	vsel vm3, v5, v6;
	v6 =	vsel vm3, v6, v5;
	v23 =	vsel vm8, v21, v22  }
0x35: {  	v26 =	vld.idx.msk [tilespmem:v11+s18+$0x0 ss:$0x1], $0xffff;
	v29 =	vsel vm4, v4, v19;
	v4 =	vsel vm4, v19, v4;
	vm4 =	vgt.f32 v24, v8  }
0x36: {  	v5 =	vsel vm7, v4, v7;
	v7 =	vsel vm7, v7, v4;
	v28 =	vsel vm4, v8, v24  }
0x37: {  	v4 =	vsel vm8, v7, v12;
	v7 =	vsel vm8, v12, v7;
	vm2 =	vgt.f32 v10, v16  }
0x38: {  	v12 =	vsel vm5, v13, v18;
	vm6 =	vgt.f32 v28, v8;
	v18 =	vsel vm2, v10, v16  }
0x39: {  	s31 =	simm.s32 $0x2;
	v15 =	vsel vm2, v16, v10;
	v30 =	vsel vm4, v13, v12;
	v10 =	vsel vm4, v12, v13  }
0x3a: {  	v32 =	vnsel vm2, s31, v17;
	vm3 =	vgt.f32 v15, v9;
	vm0 =	vgt.f32 v26, v18  }
0x3b: {  	v16 =	vsel vm3, v15, v9;
	v21 =	vsel vm0, v18, v26;
	v9 =	vsel vm3, v9, v15  }
0x3c: {  	v12 =	vsel vm3, v32, v27;
	v15 =	vsel vm2, s31, v17;
	v19 =	vsel vm0, v26, v18  }
0x3d: {  	v26 =	vsel vm6, v28, v8;
	v28 =	vsel vm4, v24, v8;
	vm1 =	vgt.f32 v21, v16  }
0x3e: {  	vm2 =	vgt.f32 v9, v14;
	vm8 =	vgt.f32 v23, v28;
	v33 =	vsel vm1, v16, v21  }
0x3f: {  	s18 =	simm.s32 $0x3;
	v17 =	vsel vm2, v9, v14;
	v22 =	vsel vm1, v21, v16;
	v18 =	vsel vm2, v14, v9  }
0x40: {  	v16 =	vsel vm3, v27, v32;
	v9 =	vsel vm0, s18, v15;
	vm7 =	vgt.f32 v18, v20  }
0x41: {  	vm3 =	vgt.f32 v33, v17;
	v8 =	vsel vm2, v6, v16;
	v27 =	vsel vm7, v18, v20  }
0x42: {  	v63 =	vsel vm3, v17, v33;
	v24 =	vsel vm3, v33, v17;
	v17 =	vsel vm7, v20, v18  }
0x43: {  	v14 =	vsel vm7, v8, v29;
	v20 =	vsel vm7, v29, v8;
	vm7 =	vgt.f32 v17, v25  }
0x44: {  	v18 =	vsel vm6, v30, v13;
	vm5 =	vgt.f32 v63, v27;
	v8 =	vsel vm7, v25, v17  }
0x45: {  	v13 =	vsel vm8, v7, v10;
	v21 =	vsel vm5, v63, v27;
	v29 =	vsel vm5, v27, v63  }
0x46: {  	v30 =	vsel vm7, v17, v25;
	v17 =	vsel vm7, v5, v20;
	vm4 =	vgt.f32 v8, v31  }
0x47: {  	s23 =	simm.s32 $0x4;
	s20 =	simm.s32 $0x400;
	vm6 =	vgt.f32 v29, v30;
	v27 =	vsel vm4, v8, v31;
	v25 =	vsel vm4, v31, v8;
	v8 =	vmovc v4  }
.LBB2_3:
0x48: {  	s24 =	sand.u32 $0x3800, s20  }
0x49: {  	v31 =	vsel vm6, v29, v30;
	v29 =	vsel vm6, v30, v29;
	s19 =	sadd.s32 $0x100, s19;
	v30 =	vsel vm8, v28, v23;
	s22 =	smov.u32 s23;
	s21 =	sadd.s32 $0x2, s23  }
0x4a: {  	p0 =	sne.s32 s23, $0x3E;
	v28 =	vsel vm8, v23, v28;
	v7 =	vsel vm8, v10, v7;
	s25 =	sand.u32 $0x300, s19;
	s24 =	sor.u32 s24, s17;
	vm8 =	vgt.f32 v30, v26  }
0x4b: {  	vm9 =	vgt.f32 v29, v27;
	s23 =	sadd.s32 s25, s24;
	s25 =	sadd.s32 $0x80, s19;
	v26 =	vsel vm8, v30, v26;
	v18 =	vsel vm8, v7, v18  }
0x4c: {  	v7 =	vsel vm7, v20, v5;
	v5 =	vnsel vm0, s18, v15;
	v32 =	vsel vm9, v29, v27;
	v10 =	vld.idx.msk [tilespmem:v11+s23+$0x0 ss:$0x1], $0xffff;
	s23 =	sand.u32 $0x380, s25  }
0x4d: {  	v15 =	vsel vm2, v16, v6;
	v16 =	vsel vm1, v5, v12;
	v5 =	vsel vm1, v12, v5;
	s18 =	sadd.s32 s23, s24  }
0x4e: {  	v6 =	vsel vm3, v5, v15;
	v5 =	vsel vm3, v15, v5;
	v20 =	vld.idx.msk [tilespmem:v11+s18+$0x0 ss:$0x1], $0xffff  }
0x4f: {  	v30 =	vsel vm5, v5, v14;
	v12 =	vsel vm5, v14, v5  }
0x50: {  	v14 =	vsel vm4, v17, v4;
	v5 =	vsel vm6, v12, v7;
	v7 =	vsel vm6, v7, v12  }
0x51: {  	v23 =	vsel vm9, v27, v29;
	v4 =	vsel vm9, v7, v14;
	v7 =	vsel vm9, v14, v7  }
0x52: {  	v12 =	vsel vm4, v8, v17;
	vm4 =	vgt.f32 v25, v28;
	vm2 =	vgt.f32 v10, v19;
	v8 =	vmovc v4  }
0x53: {  	v17 =	vsel vm4, v13, v12;
	v14 =	vsel vm2, v10, v19;
	v15 =	vsel vm2, v19, v10  }
0x54: {  	s18 =	sadd.s32 $0x1, s22;
	v10 =	vsel vm4, v12, v13;
	vm3 =	vgt.f32 v15, v22;
	vm0 =	vgt.f32 v20, v14  }
0x55: {  	v29 =	vsel vm4, v28, v25;
	v13 =	vsel vm3, v15, v22;
	v27 =	vsel vm0, v14, v20  }
0x56: {  	v33 =	vnsel vm2, s22, v9;
	v34 =	vsel vm3, v22, v15;
	vm1 =	vgt.f32 v27, v13  }
0x57: {  	vm6 =	vgt.f32 v29, v26;
	v12 =	vsel vm3, v33, v16;
	v35 =	vsel vm1, v13, v27  }
0x58: {  	v15 =	vsel vm2, s22, v9;
	v19 =	vsel vm0, v20, v14;
	vm2 =	vgt.f32 v34, v24  }
0x59: {  	v26 =	vsel vm6, v29, v26;
	v20 =	vsel vm2, v34, v24;
	v22 =	vsel vm1, v27, v13  }
0x5a: {  	v16 =	vsel vm3, v16, v33;
	v13 =	vsel vm2, v24, v34;
	vm3 =	vgt.f32 v35, v20  }
0x5b: {  	v28 =	vsel vm4, v25, v28;
	v9 =	vsel vm0, s18, v15;
	vm7 =	vgt.f32 v13, v21  }
0x5c: {  	v25 =	vsel vm2, v6, v16;
	v27 =	vsel vm7, v13, v21;
	v29 =	vsel vm3, v20, v35  }
0x5d: {  	v14 =	vsel vm7, v25, v30;
	v24 =	vsel vm3, v35, v20;
	vm5 =	vgt.f32 v29, v27  }
.Ltmp0:
0x5e: {  	v18 =	vsel vm6, v17, v18;
	v13 =	vsel vm7, v21, v13;
	v21 =	vsel vm5, v29, v27;
	(pc) =	sbr.rel @p0 .LBB2_3-.Ltmp0, $4  }
0x5f: {  	v20 =	vsel vm7, v30, v25;
	vm7 =	vgt.f32 v13, v31;
	v29 =	vsel vm5, v27, v29  }
0x60: {  	vm8 =	vgt.f32 v23, v28;
	v30 =	vsel vm7, v13, v31;
	v25 =	vsel vm7, v31, v13  }
0x61: {  	v13 =	vsel vm8, v7, v10;
	vm4 =	vgt.f32 v25, v32;
	vm6 =	vgt.f32 v29, v30  }
0x62: {  	s20 =	sadd.s32 $0x200, s20;
	s23 =	smov.u32 s21;
	v17 =	vsel vm7, v5, v20;
	v27 =	vsel vm4, v25, v32;
	v25 =	vsel vm4, v32, v25  }
0x63: {  	s17 =	sshll.u32 s15, $0xA  }
0x64: {  	s17 =	sand.u32 $0x3FFFFC00, s17  }
0x65: {  	[tilespmem:s17+$0x4000] =	vst v1  }
0x66: {  	[tilespmem:s17+$0x4010] =	vst v1  }
0x67: {  	[tilespmem:s17+$0x4020] =	vst v1  }
0x68: {  	[tilespmem:s17+$0x4030] =	vst v1  }
0x69: {  	[tilespmem:s17+$0x4040] =	vst v1  }
0x6a: {  	[tilespmem:s17+$0x4050] =	vst v1  }
0x6b: {  	[tilespmem:s17+$0x4060] =	vst v1  }
0x6c: {  	[tilespmem:s17+$0x4070] =	vst v1  }
0x6d: {  	[tilespmem:s17+$0x4080] =	vst v1  }
0x6e: {  	[tilespmem:s17+$0x4090] =	vst v1  }
0x6f: {  	[tilespmem:s17+$0x40A0] =	vst v1  }
0x70: {  	[tilespmem:s17+$0x40B0] =	vst v1  }
0x71: {  	[tilespmem:s17+$0x40C0] =	vst v1  }
0x72: {  	[tilespmem:s17+$0x40D0] =	vst v1  }
0x73: {  	[tilespmem:s17+$0x40E0] =	vst v1  }
0x74: {  	[tilespmem:s17+$0x40F0] =	vst v1  }
0x75: {  	[tilespmem:s17+$0x4100] =	vst v1  }
0x76: {  	[tilespmem:s17+$0x4110] =	vst v1  }
0x77: {  	[tilespmem:s17+$0x4120] =	vst v1  }
0x78: {  	[tilespmem:s17+$0x4130] =	vst v1  }
0x79: {  	[tilespmem:s17+$0x4140] =	vst v1  }
0x7a: {  	[tilespmem:s17+$0x4150] =	vst v1  }
0x7b: {  	v11 =	vsel vm6, v30, v29;
	[tilespmem:s17+$0x4160] =	vst v1  }
0x7c: {  	v31 =	vsel vm8, v28, v23;
	v42 =	vsub.f32 v19, v19;
	v22 =	vsub.f32 v22, v19;
	[tilespmem:s17+$0x4170] =	vst v1  }
0x7d: {  	v41 =	vsel vm8, v23, v28;
	v24 =	vsub.f32 v24, v19;
	v21 =	vsub.f32 v21, v19;
	[tilespmem:s17+$0x4180] =	vst v1  }
0x7e: {  	v45 =	vsel vm6, v29, v30;
	vm13 =	vgt.f32 v31, v26;
	v28 =	vmul.f32 $1.442695020e+00, v42;
	[tilespmem:s17+$0x4190] =	vst v1  }
0x7f: {  	vm9 =	vgt.f32 v11, v27;
	vm10 =	vgt.f32 v25, v41;
	v22 =	vmul.f32 $1.442695020e+00, v22;
	[tilespmem:s17+$0x41A0] =	vst v1  }
0x80: {  	v46 =	vsub.f32 v45, v19;
	v26 =	vsel vm13, v31, v26;
	[tilespmem:s17+$0x41B0] =	vst v1;
	(erf) = vpow2.f32 v28  }
0x81: {  	v43 =	vsel vm9, v27, v11;
	v44 =	vmul.f32 $1.442695020e+00, v24;
	[tilespmem:s17+$0x41C0] =	vst v1;
	(erf) = vpow2.f32 v22  }
0x82: {  	v32 =	vsel vm10, v41, v25;
	v23 =	vsel vm10, v25, v41;
	[tilespmem:s17+$0x41D0] =	vst v1;
	v21 =	vmul.f32 $1.442695020e+00, v21  }
0x83: {  	[tilespmem:s17+$0x41E0] =	vst v1;
	v11 =	vsel vm9, v11, v27;
	vm11 =	vgt.f32 v32, v26;
	(erf) = vpow2.f32 v44  }
0x84: {  	[tilespmem:s17+$0x41F0] =	vst v1;
	vm12 =	vgt.f32 v43, v23;
	v48 =	vmul.f32 $1.442695020e+00, v46;
	v11 =	vsub.f32 v11, v19  }
0x85: {  	[tilespmem:s17+$0x4200] =	vst v1;
	v47 =	vsel vm11, v32, v26;
	v25 =	vsel vm12, v23, v43;
	(erf) = vpow2.f32 v21  }
0x86: {  	[tilespmem:s17+$0x4210] =	vst v1;
	v49 =	vsel vm12, v43, v23;
	vm14 =	vgt.f32 v25, v47  }
0x87: {  	[tilespmem:s17+$0x4220] =	vst v1;
	v11 =	vmul.f32 $1.442695020e+00, v11;
	v50 =	vsub.f32 v49, v19;
	(erf) = vpow2.f32 v48  }
0x88: {  	[tilespmem:s17+$0x4230] =	vst v1;
	v51 =	vsel vm14, v25, v47  }
0x89: {  	[tilespmem:s17+$0x4240] =	vst v1;
	v53 =	vmul.f32 $1.442695020e+00, v50;
	v54 =	vsub.f32 v51, v19;
	v52 =	vpop (erf);
	(erf) = vpow2.f32 v11  }
0x8a: {  	[tilespmem:s17+$0x4250] =	vst v1;
	v55 =	vpop (erf)  }
0x8b: {  	[tilespmem:s17+$0x4260] =	vst v1;
	v56 =	vmul.f32 $1.442695020e+00, v54;
	(erf) = vpow2.f32 v53;
	v57 =	vadd.f32 v55, v52  }
0x8c: {  	[tilespmem:s17+$0x4270] =	vst v1;
	v58 =	vpop (erf)  }
0x8d: {  	[tilespmem:s17+$0x4280] =	vst v1;
	(erf) = vpow2.f32 v56;
	v59 =	vadd.f32 v58, v57  }
0x8e: {  	[tilespmem:s17+$0x4290] =	vst v1;
	v60 =	vpop (erf)  }
0x8f: {  	[tilespmem:s17+$0x42A0] =	vst v1;
	v11 =	vadd.f32 v60, v59  }
0x90: {  	[tilespmem:s17+$0x42B0] =	vst v1;
	v61 =	vpop (erf)  }
0x91: {  	[tilespmem:s17+$0x42C0] =	vst v1;
	v11 =	vadd.f32 v61, v11  }
0x92: {  	[tilespmem:s17+$0x42D0] =	vst v1;
	v62 =	vpop (erf)  }
0x93: {  	[tilespmem:s17+$0x42E0] =	vst v1;
	v11 =	vadd.f32 v62, v11  }
0x94: {  	[tilespmem:s17+$0x42F0] =	vst v1;
	v63 =	vpop (erf)  }
0x95: {  	[tilespmem:s17+$0x4300] =	vst v1;
	v11 =	vadd.f32 v63, v11  }
0x96: {  	[tilespmem:s17+$0x4310] =	vst v1;
	v36 =	vpop (erf)  }
0x97: {  	[tilespmem:s17+$0x4320] =	vst v1;
	v11 =	vadd.f32 v36, v11  }
0x98: {  	[tilespmem:s17+$0x4330] =	vst v1  }
0x99: {  	[tilespmem:s17+$0x4340] =	vst v1;
	(erf) = vrcp.f32 v11  }
0x9a: {  	[tilespmem:s17+$0x4350] =	vst v1  }
0x9b: {  	[tilespmem:s17+$0x4360] =	vst v1  }
0x9c: {  	[tilespmem:s17+$0x4370] =	vst v1  }
0x9d: {  	[tilespmem:s17+$0x4380] =	vst v1  }
0x9e: {  	v37 =	vor.u32 s16, v2;
	[tilespmem:s17+$0x4390] =	vst v1  }
0x9f: {  	v38 =	vshll.u32 v37, $0x6;
	[tilespmem:s17+$0x43A0] =	vst v1  }
0xa0: {  	[tilespmem:s17+$0x43B0] =	vst v1;
	v39 =	vadd.s32 v38, v9  }
0xa1: {  	v15 =	vnsel vm0, s18, v15;
	[tilespmem:s17+$0x43C0] =	vst v1;
	v11 =	vshll.u32 v37, $0x3  }
0xa2: {  	v40 =	vsel vm1, v15, v12;
	[tilespmem:s17+$0x43D0] =	vst v1;
	v41 =	vpop (erf)  }
0xa3: {  	[tilespmem:s17+$0x43E0] =	vst v1;
	v42 =	vadd.s32 v38, v40;
	v23 =	vmul.f32 v41, v52  }
0xa4: {  	v6 =	vsel vm2, v16, v6;
	[tilespmem:s17+$0x43F0] =	vst v1;
	v43 =	vsel vm1, v12, v15;
	v44 =	vor.u32 $0x1, v11  }
0xa5: {  	v16 =	vsel vm3, v43, v6;
	[tilespmem:v39+s11+$0x0] =	vst.idx.msk $0xffff, v23  }
0xa6: {  	v45 =	vadd.s32 v38, v16;
	v21 =	vmul.f32 v41, v55;
	[tilespmem:v11+s12+$0x0] =	vst.idx.msk $0xffff, v9  }
0xa7: {  	v6 =	vsel vm3, v6, v43;
	v46 =	vor.u32 $0x2, v11;
	[tilespmem:v9+s13+$0x0] =	vst.idx.add.s32.msk $0xffff, v3  }
0xa8: {  	v7 =	vsel vm8, v10, v7;
	v47 =	vsel vm5, v6, v14;
	[tilespmem:v42+s11+$0x0] =	vst.idx.msk $0xffff, v21  }
0xa9: {  	v49 =	vadd.s32 v38, v47;
	v48 =	vmul.f32 v41, v58;
	[tilespmem:v44+s12+$0x0] =	vst.idx.msk $0xffff, v40  }
0xaa: {  	v5 =	vsel vm7, v20, v5;
	v6 =	vsel vm5, v14, v6;
	v50 =	vor.u32 $0x3, v11;
	[tilespmem:v40+s13+$0x0] =	vst.idx.add.s32.msk $0xffff, v3  }
0xab: {  	v4 =	vsel vm4, v17, v4;
	v51 =	vsel vm6, v6, v5;
	[tilespmem:v45+s11+$0x0] =	vst.idx.msk $0xffff, v48  }
0xac: {  	v53 =	vadd.s32 v38, v51;
	v52 =	vmul.f32 v41, v60;
	[tilespmem:v46+s12+$0x0] =	vst.idx.msk $0xffff, v16  }
0xad: {  	v8 =	vsel vm4, v8, v17;
	v5 =	vsel vm6, v5, v6;
	v54 =	vor.u32 $0x4, v11;
	[tilespmem:v16+s13+$0x0] =	vst.idx.add.s32.msk $0xffff, v3  }
0xae: {  	v7 =	vsel vm13, v7, v18;
	v55 =	vsel vm9, v5, v4;
	[tilespmem:v49+s11+$0x0] =	vst.idx.msk $0xffff, v52  }
0xaf: {  	v56 =	vmul.f32 v41, v61;
	v57 =	vadd.s32 v38, v55;
	[tilespmem:v50+s12+$0x0] =	vst.idx.msk $0xffff, v47  }
0xb0: {  	v4 =	vsel vm9, v4, v5;
	v5 =	vsel vm10, v8, v13;
	v58 =	vor.u32 $0x5, v11;
	[tilespmem:v47+s13+$0x0] =	vst.idx.add.s32.msk $0xffff, v3  }
0xb1: {  	v8 =	vsel vm10, v13, v8;
	v59 =	vsel vm12, v4, v5;
	[tilespmem:v53+s11+$0x0] =	vst.idx.msk $0xffff, v56  }
0xb2: {  	v60 =	vmul.f32 v41, v62;
	v61 =	vadd.s32 v38, v59;
	[tilespmem:v54+s12+$0x0] =	vst.idx.msk $0xffff, v51  }
0xb3: {  	v7 =	vsel vm11, v8, v7;
	v4 =	vsel vm12, v5, v4;
	v5 =	vor.u32 $0x6, v11;
	[tilespmem:v51+s13+$0x0] =	vst.idx.add.s32.msk $0xffff, v3  }
0xb4: {  	v4 =	vsel vm14, v4, v7;
	[tilespmem:v57+s11+$0x0] =	vst.idx.msk $0xffff, v60  }
0xb5: {  	v62 =	vmul.f32 v41, v63;
	v7 =	vadd.s32 v38, v4;
	[tilespmem:v58+s12+$0x0] =	vst.idx.msk $0xffff, v55  }
0xb6: {  	s15 =	sadd.s32 $0x1, s15;
	v63 =	vor.u32 $0x7, v11;
	[tilespmem:v55+s13+$0x0] =	vst.idx.add.s32.msk $0xffff, v3  }
0xb7: {  	p0 =	sne.s32 s15, $0x10;
	[tilespmem:v61+s11+$0x0] =	vst.idx.msk $0xffff, v62  }
.Ltmp1:
0xb8: {  	[tilespmem:v5+s12+$0x0] =	vst.idx.msk $0xffff, v59;
	v5 =	vmul.f32 v41, v36;
	(pc) =	sbr.rel @p0 .LBB2_2-.Ltmp1, $4  }
0xb9: {  	[tilespmem:v59+s13+$0x0] =	vst.idx.add.s32.msk $0xffff, v3  }
0xba: {  	[tilespmem:v7+s11+$0x0] =	vst.idx.msk $0xffff, v5  }
0xbb: {  	[tilespmem:v63+s12+$0x0] =	vst.idx.msk $0xffff, v4  }
0xbc: {  	[tilespmem:v4+s13+$0x0] =	vst.idx.add.s32.msk $0xffff, v3  }
0xbd: {  	[hbm4b:s4+s2] =	stream.linear.scatter [tilespmem:s11], [sflag:$0x1], $0x4000, $0x38;
	[tilespmem:$0x8880] =	vst v63  }
0xbe: {  	_ =	swait.ge [sflag:s10], $0x4000  }
0xbf: {  	[sflag:s10] =	ssyncset.done $0x0  }
0xc0: {  	[sflag:s10] =	ssyncadd.s32 $0xFFFFC000  }
0xc1: {  	[hbm4b:s5+s2] =	stream.linear.scatter [tilespmem:s12], [sflag:$0x1], $0x800, $0x38;
	[tilespmem:$0x8880] =	vst v63  }
0xc2: {  	s14 =	sadd.s32 $0x1, s14;
	_ =	swait.ge [sflag:s10], $0x800  }
0xc3: {  	p0 =	sne.s32 s14, s7;
	[sflag:s10] =	ssyncset.done $0x0  }
.Ltmp2:
0xc4: {  	[sflag:s10] =	ssyncadd.s32 $0xFFFFF800;
	(pc) =	sbr.rel @p0 .LBB2_1-.Ltmp2, $4  }
0xc5: {  	[hbm4b:s6+s2] =	stream.linear.scatter [tilespmem:s13], [sflag:$0x1], $0x80, $0x38;
	[tilespmem:$0x8880] =	vst v63  }
0xc6: {  	_ =	swait.ge [sflag:s10], $0x80  }
0xc7: {  	[sflag:s10] =	ssyncset.done $0x0  }
0xc8: {  	[sflag:s10] =	ssyncadd.s32 $0xFFFFFF80  }
0xc9: {  	_ =	sfence.sel $0x180000  }
0xca: {  	[bflag:$0x0] =	sbarrier.arrive $0xFFFF  }
0xcb: {  	p0 =	sne.s32 s1, $0x0;
	_ =	strace $0x90000047  }
0xcc: {  	s0 =	sadd.s32 @!p0 $0x100000, s0;
	[bflag:$0x2] =	sbarrier.arrive $0xFFFF  }
0xcd: {  	[sflag:s0] =	ssyncadd.tile.s32 @!p0 $0x1;
	_ =	shalt  }
.Lfunc_end2:
_tile_overlayer_lowered:
.L_overlay_start_2:
0xce: {  	(tag) =	ssettag $0x2  }
0xcf: {  	s0 =	rddreg [dreg:$0x0];
	s2 =	stileid.u32  }
0xd0: {  	s1 =	rddreg [dreg:$0x1];
	p0 =	sne.s32 s2, $0x0  }
0xd1: {  	s3 =	rddreg [dreg:$0x2];
	[bflag:$0x3] =	sbarrier.arrive $0xFFFF;
	s2 =	simm.s32 @!p0 $0x1C01  }
0xd2: {  	[timem:s3], [sflag:s2] =	dma.local @!p0 [hbm:s0], s1  }
0xd3: {  	s0 =	simm.s32 @!p0 $0x1  }
0xd4: {  	_ =	swait.ge @!p0 [sflag:s0], s1  }
0xd5: {  	s1 =	ssub.s32 @!p0 $0x0, s1;
	[sflag:s0] =	ssyncset.done @!p0 $0x0  }
0xd6: {  	[sflag:s0] =	ssyncadd.s32 @!p0 s1  }
0xd7: {  	[bflag:$0x3] =	sbarrier.arrive $0xFFFF  }
0xd8: {  	_ =	shalt  }

</sc_bundles>
